<compile_context>
chip_gen: v7x
topology: tpu7x:2x2x1
jax: 0.10.2.dev20260603
libtpu: 0.0.44.dev20260713+nightly
codegen_flags: <defaults>
</compile_context>

<pallas_src>
import functools

import jax
import jax.numpy as jnp
from jax import lax
from jax.experimental import pallas as pl
from jax.experimental.pallas import tpu as pltpu
from jax.experimental.pallas import tpu_sc as plsc

_K = 8192
_D = 64
_BETA = 0.25
_N = 16384
_MT = 1024
_KC = 2048
_NW = 32
_BPW = _N // _NW
_CH = 128

_PRECISION = lax.Precision.DEFAULT


def _proj_body(cb_ref, pw_ref, pb_ref, qc_ref, qsq_ref):
    qc = lax.dot_general(
        cb_ref[...], pw_ref[...], (((1,), (1,)), ((), ())),
        precision=_PRECISION, preferred_element_type=jnp.float32,
    ) + pb_ref[...]
    qc_ref[...] = qc
    qsq_ref[...] = lax.dot_general(
        jnp.ones((1, _D), jnp.float32), qc * qc, (((1,), (1,)), ((), ())),
        precision=lax.Precision.HIGHEST, preferred_element_type=jnp.float32)


def _project(codebook, proj_w, proj_b2d):
    return pl.pallas_call(
        _proj_body,
        out_shape=[
            jax.ShapeDtypeStruct((_K, _D), jnp.float32),
            jax.ShapeDtypeStruct((1, _K), jnp.float32),
        ],
    )(codebook, proj_w, proj_b2d)


def _argmin_body(z_ref, qc_ref, qsq_ref, idx_ref):
    zt = z_ref[...]
    z_sq = jnp.sum(zt * zt, axis=1, keepdims=True)
    zt2 = -2.0 * zt
    iota = lax.broadcasted_iota(jnp.int32, (_MT, _KC), 1)
    big = jnp.int32(2 ** 30)
    bv = jnp.full((_MT, 1), jnp.inf, jnp.float32)
    bi = jnp.zeros((_MT, 1), jnp.int32)
    for c in range(_K // _KC):
        qcc = qc_ref[pl.ds(c * _KC, _KC), :]
        qs = qsq_ref[:, pl.ds(c * _KC, _KC)]
        dots2 = lax.dot_general(
            zt2, qcc, (((1,), (1,)), ((), ())),
            precision=_PRECISION, preferred_element_type=jnp.float32)
        d = (z_sq + qs) + dots2
        cmin = jnp.min(d, axis=1, keepdims=True)
        cidx = jnp.min(jnp.where(d == cmin, iota, big),
                       axis=1, keepdims=True)
        upd = cmin < bv
        bi = jnp.where(upd, cidx + (c * _KC), bi)
        bv = jnp.where(upd, cmin, bv)
    idx_ref[...] = bi


def _argmin(zf, qc, qsq):
    return pl.pallas_call(
        _argmin_body,
        grid=(_N // _MT,),
        in_specs=[
            pl.BlockSpec((_MT, _D), lambda i: (i, 0)),
            pl.BlockSpec((_K, _D), lambda i: (0, 0)),
            pl.BlockSpec((1, _K), lambda i: (0, 0)),
        ],
        out_specs=pl.BlockSpec((_MT, 1), lambda i: (i, 0)),
        out_shape=jax.ShapeDtypeStruct((_N, 1), jnp.int32),
    )(zf, qc, qsq)


def _sc_gather_count(qc, idx2d):
    mesh = plsc.VectorSubcoreMesh(core_axis_name="c", subcore_axis_name="s")
    nchunk = _BPW // _CH
    stripe = _K // 16

    @functools.partial(
        pl.kernel,
        mesh=mesh,
        compiler_params=pltpu.CompilerParams(use_tc_tiling_on_sc=False),
        out_type=[
            jax.ShapeDtypeStruct((_N, _D), jnp.float32),
            jax.ShapeDtypeStruct((2, _K, 16), jnp.float32),
        ],
        scratch_types=[
            pltpu.VMEM((nchunk, _CH), jnp.int32),
            pltpu.VMEM((_BPW, _D), jnp.float32),
            pltpu.VMEM((_CH, 16), jnp.float32),
            pltpu.VMEM((stripe, 16), jnp.float32),
            pltpu.VMEM_SHARED((_K, 16), jnp.float32),
            pltpu.SemaphoreType.DMA,
        ],
    )
    def k(qc_hbm, idx_hbm, zq_hbm, cnt_hbm,
          idx_v, rows_v, ones_v, zero_v, shared, sem):
        cid = lax.axis_index("c")
        sid = lax.axis_index("s")
        wid = sid * 2 + cid
        pltpu.sync_copy(idx_hbm.at[pl.ds(wid * nchunk, nchunk)], idx_v)
        copies = []
        for c in range(nchunk):
            copies.append(pltpu.async_copy(
                qc_hbm.at[idx_v.at[c]],
                rows_v.at[pl.ds(c * _CH, _CH)], sem))

        col = lax.broadcasted_iota(jnp.int32, (16,), 0)
        one16 = jnp.where(col == 0, 1.0, 0.0).astype(jnp.float32)

        def ones_body(i, carry):
            ones_v[i] = one16
            return carry
        lax.fori_loop(0, _CH, ones_body, 0)

        def zero_body(i, carry):
            zero_v[i] = jnp.zeros((16,), jnp.float32)
            return carry
        lax.fori_loop(0, stripe, zero_body, 0)
        pltpu.sync_copy(zero_v, shared.at[pl.ds(sid * stripe, stripe)])
        plsc.subcore_barrier()
        for c in range(nchunk):
            pltpu.sync_copy(ones_v, shared.at[idx_v.at[c]], add=True)
        plsc.subcore_barrier()

        @pl.when(sid == 0)
        def _():
            pltpu.sync_copy(shared, cnt_hbm.at[cid])

        for cp in copies:
            cp.wait()
        pltpu.sync_copy(rows_v, zq_hbm.at[pl.ds(wid * _BPW, _BPW)])

    return k(qc, idx2d)


def _loss_body(z_ref, zq_ref, pc_ref, loss_ref, perp_ref):
    diff = zq_ref[...] - z_ref[...]
    m = jnp.sum(diff * diff) / jnp.float32(_N * _D)
    loss_ref[...] = (_BETA * m + m).reshape(1, 1)
    rows = pc_ref[pl.ds(0, _K), :] + pc_ref[pl.ds(_K, _K), :]
    counts = jnp.sum(rows, axis=1, keepdims=True)
    e_mean = counts / jnp.float32(_N)
    perp = jnp.exp(-jnp.sum(e_mean * jnp.log(e_mean + 1e-8)))
    perp_ref[...] = perp.reshape(1, 1)


def _losses(zf, zq, pcnt):
    return pl.pallas_call(
        _loss_body,
        out_shape=[
            jax.ShapeDtypeStruct((1, 1), jnp.float32),
            jax.ShapeDtypeStruct((1, 1), jnp.float32),
        ],
    )(zf, zq, pcnt)


def kernel(z, codebook, proj_w, proj_b):
    zf = z.reshape(_N, _D)
    qc, qsq = _project(codebook, proj_w, proj_b.reshape(1, _D))
    idx2d = _argmin(zf, qc, qsq).reshape(_N // _CH, _CH)
    zq, pcnt = _sc_gather_count(qc, idx2d)
    loss, perp = _losses(zf, zq, pcnt.reshape(2 * _K, 16))
    return zq.reshape(z.shape), loss[0, 0], perp[0, 0]

# --- scband reference (transcript-rebuilt; emitter-appended) ---
"""Pipeline reference for scband-sim-vq-1657857376701 (READ-ONLY COPY).

The authoritative reference and input builder live on the scoring server;
editing this copy changes nothing except your own understanding.
"""

import jax, jax.numpy as jnp
import numpy as np

K = 8192
D = 64
BETA = 0.25

def setup_inputs(seed: int = 0) -> dict:
    key = jax.random.key(seed)
    k1, k2, k3, k4 = jax.random.split(key, 4)
    z = jax.random.normal(k1, (16, 1024, D), dtype=jnp.float32)
    # nn.Embedding init: normal(0, D**-0.5), frozen
    codebook = jax.random.normal(k2, (K, D), dtype=jnp.float32) * (D ** -0.5)
    # nn.Linear default init: uniform(-1/sqrt(in), 1/sqrt(in))
    lim = D ** -0.5
    proj_w = jax.random.uniform(k3, (D, D), minval=-lim, maxval=lim, dtype=jnp.float32)
    proj_b = jax.random.uniform(k4, (D,), minval=-lim, maxval=lim, dtype=jnp.float32)
    return {"z": z, "codebook": codebook, "proj_w": proj_w, "proj_b": proj_b}

def reference(z, codebook, proj_w, proj_b):
    beta = BETA
    k = codebook.shape[0]
    zf = z.reshape(-1, z.shape[-1])
    # embedding_proj applied to frozen codebook
    quant_codebook = zf.dtype.type(0) + (codebook @ proj_w.T + proj_b)
    d = (jnp.sum(zf ** 2, axis=1, keepdims=True)
         + jnp.sum(quant_codebook ** 2, axis=1)
         - 2.0 * (zf @ quant_codebook.T))
    min_encoding_indices = jnp.argmin(d, axis=1)
    z_q = jnp.take(quant_codebook, min_encoding_indices, axis=0).reshape(z.shape)
    codebook_counts = jnp.bincount(min_encoding_indices, minlength=k, length=k)
    e_mean = codebook_counts.astype(jnp.float32) / min_encoding_indices.shape[0]
    perplexity = jnp.exp(-jnp.sum(e_mean * jnp.log(e_mean + 1e-8)))
    commit_loss = (beta * jnp.mean((jax.lax.stop_gradient(z_q) - z) ** 2)
                   + jnp.mean((z_q - jax.lax.stop_gradient(z)) ** 2))
    z_q_st = z + jax.lax.stop_gradient(z_q - z)
    return (z_q_st, commit_loss, perplexity)

if __name__ == "__main__":
    import jax
    _d = setup_inputs()
    print(jax.jit(kernel)(*tuple(_d.values())))

</pallas_src>

<mosaic_0001>
#map = affine_map<(d0, d1) -> (0, 0)>
#map1 = affine_map<(d0, d1) -> (0, 0, 0)>
module attributes {stable_mosaic.version = 14 : i64} {
  func.func @k(%arg0: i32, %arg1: i32, %arg2: memref<8192x64xf32, #tpu.memory_space<hbm>>, %arg3: memref<128x128xi32, #tpu.memory_space<hbm>>, %arg4: memref<16384x64xf32, #tpu.memory_space<hbm>>, %arg5: memref<2x8192x16xf32, #tpu.memory_space<hbm>>, %arg6: memref<4x128xi32, #tpu.memory_space<vmem>>, %arg7: memref<512x64xf32, #tpu.memory_space<vmem>>, %arg8: memref<128x16xf32, #tpu.memory_space<vmem>>, %arg9: memref<512x16xf32, #tpu.memory_space<vmem>>, %arg10: memref<8192x16xf32, #tpu.memory_space<vmem_shared>>, %arg11: memref<!tpu.dma_semaphore, #tpu.memory_space<semaphore_mem>>) attributes {dimension_semantics = [#tpu.dimension_semantics<core_parallel>, #tpu.dimension_semantics<subcore_parallel>], iteration_bounds = array<i64: 2, 16>, scalar_prefetch = 0 : i64, scratch_operands = 6 : i64, tpu.core_type = #tpu.core_type<sc_vector_subcore>, window_params = [{transform_indices = #map}, {transform_indices = #map}, {transform_indices = #map}, {transform_indices = #map1}]} {
    %mul3A = arith.constant 2 : i32
    %mul3A_0 = arith.muli %arg1, %mul3A : i32
    %add3A = arith.addi %mul3A_0, %arg0 : i32
    %mul3A_1 = arith.constant 4 : i32
    %mul3A_2 = arith.muli %add3A, %mul3A_1 : i32
    "tpu.region"() ({
      %run_scoped3A_107 = tpu.sem_alloc : memref<!tpu.dma_semaphore, #tpu.memory_space<semaphore_mem>>
      %dma_start3A_108 = arith.constant 0 : i32
      %dma_start3A_109 = tpu.memref_slice %arg3[%mul3A_2, %dma_start3A_108] : memref<128x128xi32, #tpu.memory_space<hbm>> -> memref<4x128xi32, #tpu.memory_space<hbm>>
      %dma_start3A_110 = arith.constant 0 : i32
      %dma_start3A_111 = tpu.memref_slice %arg3[%mul3A_2, %dma_start3A_110] : memref<128x128xi32, #tpu.memory_space<hbm>> -> memref<4x128xi32, #tpu.memory_space<hbm>>
      tpu.enqueue_dma source(%dma_start3A_111 : memref<4x128xi32, #tpu.memory_space<hbm>>) target(%arg6 : memref<4x128xi32, #tpu.memory_space<vmem>>) target_semaphore(%run_scoped3A_107 : memref<!tpu.dma_semaphore, #tpu.memory_space<semaphore_mem>>)
      %dma_wait3A_112 = arith.constant 0 : i32
      %dma_wait3A_113 = tpu.memref_slice %arg3[%mul3A_2, %dma_wait3A_112] : memref<128x128xi32, #tpu.memory_space<hbm>> -> memref<4x128xi32, #tpu.memory_space<hbm>>
      %dma_wait3A_114 = arith.constant 0 : i32
      %dma_wait3A_115 = tpu.memref_slice %arg3[%mul3A_2, %dma_wait3A_114] : memref<128x128xi32, #tpu.memory_space<hbm>> -> memref<4x128xi32, #tpu.memory_space<hbm>>
      tpu.wait_dma2 semaphore(%run_scoped3A_107 : memref<!tpu.dma_semaphore, #tpu.memory_space<semaphore_mem>>) src(%dma_wait3A_115 : memref<4x128xi32, #tpu.memory_space<hbm>>) dst(%arg6 : memref<4x128xi32, #tpu.memory_space<vmem>>)
      tpu.yield
    }) : () -> ()
    %dma_start3A = arith.constant 0 : i32
    %dma_start3A_3 = arith.constant 0 : i32
    %dma_start3A_4 = arith.constant 0 : i32
    %dma_start3A_5 = tpu.memref_slice %arg7[%dma_start3A_3, %dma_start3A_4] : memref<512x64xf32, #tpu.memory_space<vmem>> -> memref<128x64xf32, #tpu.memory_space<vmem>>
    %dma_start3A_6 = arith.constant 0 : i32
    %dma_start3A_7 = tpu.memref_slice %arg6[%dma_start3A, %dma_start3A_6] : memref<4x128xi32, #tpu.memory_space<vmem>> -> memref<1x128xi32, #tpu.memory_space<vmem>>
    %dma_start3A_8 = tpu.memref_squeeze %dma_start3A_7 : memref<1x128xi32, #tpu.memory_space<vmem>> -> memref<128xi32, #tpu.memory_space<vmem>>
    %dma_start3A_9 = arith.constant 0 : i32
    %dma_start3A_10 = arith.constant 0 : i32
    %dma_start3A_11 = tpu.memref_slice %arg2[%dma_start3A_9, %dma_start3A_10] : memref<8192x64xf32, #tpu.memory_space<hbm>> -> memref<8192x64xf32, #tpu.memory_space<hbm>>
    tpu.enqueue_indirect_dma source(%dma_start3A_11 : memref<8192x64xf32, #tpu.memory_space<hbm>>) target(%dma_start3A_5 : memref<128x64xf32, #tpu.memory_space<vmem>>) offsets(%dma_start3A_8 : memref<128xi32, #tpu.memory_space<vmem>>) semaphore(%arg11 : memref<!tpu.dma_semaphore, #tpu.memory_space<semaphore_mem>>)
    %dma_start3A_12 = arith.constant 1 : i32
    %dma_start3A_13 = arith.constant 128 : i32
    %dma_start3A_14 = arith.constant 0 : i32
    %dma_start3A_15 = tpu.memref_slice %arg7[%dma_start3A_13, %dma_start3A_14] : memref<512x64xf32, #tpu.memory_space<vmem>> -> memref<128x64xf32, #tpu.memory_space<vmem>>
    %dma_start3A_16 = arith.constant 0 : i32
    %dma_start3A_17 = tpu.memref_slice %arg6[%dma_start3A_12, %dma_start3A_16] : memref<4x128xi32, #tpu.memory_space<vmem>> -> memref<1x128xi32, #tpu.memory_space<vmem>>
    %dma_start3A_18 = tpu.memref_squeeze %dma_start3A_17 : memref<1x128xi32, #tpu.memory_space<vmem>> -> memref<128xi32, #tpu.memory_space<vmem>>
    %dma_start3A_19 = arith.constant 0 : i32
    %dma_start3A_20 = arith.constant 0 : i32
    %dma_start3A_21 = tpu.memref_slice %arg2[%dma_start3A_19, %dma_start3A_20] : memref<8192x64xf32, #tpu.memory_space<hbm>> -> memref<8192x64xf32, #tpu.memory_space<hbm>>
    tpu.enqueue_indirect_dma source(%dma_start3A_21 : memref<8192x64xf32, #tpu.memory_space<hbm>>) target(%dma_start3A_15 : memref<128x64xf32, #tpu.memory_space<vmem>>) offsets(%dma_start3A_18 : memref<128xi32, #tpu.memory_space<vmem>>) semaphore(%arg11 : memref<!tpu.dma_semaphore, #tpu.memory_space<semaphore_mem>>)
    %dma_start3A_22 = arith.constant 2 : i32
    %dma_start3A_23 = arith.constant 256 : i32
    %dma_start3A_24 = arith.constant 0 : i32
    %dma_start3A_25 = tpu.memref_slice %arg7[%dma_start3A_23, %dma_start3A_24] : memref<512x64xf32, #tpu.memory_space<vmem>> -> memref<128x64xf32, #tpu.memory_space<vmem>>
    %dma_start3A_26 = arith.constant 0 : i32
    %dma_start3A_27 = tpu.memref_slice %arg6[%dma_start3A_22, %dma_start3A_26] : memref<4x128xi32, #tpu.memory_space<vmem>> -> memref<1x128xi32, #tpu.memory_space<vmem>>
    %dma_start3A_28 = tpu.memref_squeeze %dma_start3A_27 : memref<1x128xi32, #tpu.memory_space<vmem>> -> memref<128xi32, #tpu.memory_space<vmem>>
    %dma_start3A_29 = arith.constant 0 : i32
    %dma_start3A_30 = arith.constant 0 : i32
    %dma_start3A_31 = tpu.memref_slice %arg2[%dma_start3A_29, %dma_start3A_30] : memref<8192x64xf32, #tpu.memory_space<hbm>> -> memref<8192x64xf32, #tpu.memory_space<hbm>>
    tpu.enqueue_indirect_dma source(%dma_start3A_31 : memref<8192x64xf32, #tpu.memory_space<hbm>>) target(%dma_start3A_25 : memref<128x64xf32, #tpu.memory_space<vmem>>) offsets(%dma_start3A_28 : memref<128xi32, #tpu.memory_space<vmem>>) semaphore(%arg11 : memref<!tpu.dma_semaphore, #tpu.memory_space<semaphore_mem>>)
    %dma_start3A_32 = arith.constant 3 : i32
    %dma_start3A_33 = arith.constant 384 : i32
    %dma_start3A_34 = arith.constant 0 : i32
    %dma_start3A_35 = tpu.memref_slice %arg7[%dma_start3A_33, %dma_start3A_34] : memref<512x64xf32, #tpu.memory_space<vmem>> -> memref<128x64xf32, #tpu.memory_space<vmem>>
    %dma_start3A_36 = arith.constant 0 : i32
    %dma_start3A_37 = tpu.memref_slice %arg6[%dma_start3A_32, %dma_start3A_36] : memref<4x128xi32, #tpu.memory_space<vmem>> -> memref<1x128xi32, #tpu.memory_space<vmem>>
    %dma_start3A_38 = tpu.memref_squeeze %dma_start3A_37 : memref<1x128xi32, #tpu.memory_space<vmem>> -> memref<128xi32, #tpu.memory_space<vmem>>
    %dma_start3A_39 = arith.constant 0 : i32
    %dma_start3A_40 = arith.constant 0 : i32
    %dma_start3A_41 = tpu.memref_slice %arg2[%dma_start3A_39, %dma_start3A_40] : memref<8192x64xf32, #tpu.memory_space<hbm>> -> memref<8192x64xf32, #tpu.memory_space<hbm>>
    tpu.enqueue_indirect_dma source(%dma_start3A_41 : memref<8192x64xf32, #tpu.memory_space<hbm>>) target(%dma_start3A_35 : memref<128x64xf32, #tpu.memory_space<vmem>>) offsets(%dma_start3A_38 : memref<128xi32, #tpu.memory_space<vmem>>) semaphore(%arg11 : memref<!tpu.dma_semaphore, #tpu.memory_space<semaphore_mem>>)
    %iota3A = tpu.iota {dimensions = array<i32: 0>} : vector<16xi32>
    %eq3A = arith.constant 0 : i32
    %eq3A_42 = vector.broadcast %eq3A : i32 to vector<16xi32>
    %eq3A_43 = arith.cmpi eq, %iota3A, %eq3A_42 : vector<16xi32>
    %jit3A = arith.constant 1.000000e+00 : f32
    %jit3A_44 = arith.constant 0.000000e+00 : f32
    %broadcast_in_dim3A = vector.broadcast %jit3A : f32 to vector<16xf32>
    %broadcast_in_dim3A_45 = vector.broadcast %jit3A_44 : f32 to vector<16xf32>
    %select_n3A = arith.select %eq3A_43, %broadcast_in_dim3A, %broadcast_in_dim3A_45 : vector<16xi1>, vector<16xf32>
    %scan3A = arith.constant 0 : i32
    %scan3A_46 = arith.constant 0 : i32
    %scan3A_47 = arith.constant 128 : i32
    %scan3A_48 = arith.addi %scan3A_46, %scan3A_47 : i32
    %scan3A_49 = arith.constant 1 : i32
    scf.for %scan3A_107 = %scan3A_46 to %scan3A_48 step %scan3A_49  : i32 {
      %swap3A = arith.index_cast %scan3A_107 : i32 to index
      %swap3A_108 = arith.constant 0 : index
      %swap3A_109 = tpu.vector_load %arg8[%swap3A, %swap3A_108] {strides = array<i32>} : memref<128x16xf32, #tpu.memory_space<vmem>>, vector<1x16xf32>,
      %swap3A_110 = vector.shape_cast %swap3A_109 : vector<1x16xf32> to vector<16xf32>
      %swap3A_111 = vector.shape_cast %select_n3A : vector<16xf32> to vector<1x16xf32>
      tpu.vector_store %arg8[%swap3A, %swap3A_108], %swap3A_111 {strides = array<i32>} : memref<128x16xf32, #tpu.memory_space<vmem>>, vector<1x16xf32>,
    }
    %scan3A_50 = arith.constant 128 : i32
    %scan3A_51 = arith.constant 0 : i32
    %scan3A_52 = arith.constant 0 : i32
    %scan3A_53 = arith.constant 512 : i32
    %scan3A_54 = arith.addi %scan3A_52, %scan3A_53 : i32
    %scan3A_55 = arith.constant 1 : i32
    scf.for %scan3A_107 = %scan3A_52 to %scan3A_54 step %scan3A_55  : i32 {
      %broadcast_in_dim3A_108 = arith.constant 0.000000e+00 : f32
      %broadcast_in_dim3A_109 = vector.broadcast %broadcast_in_dim3A_108 : f32 to vector<16xf32>
      %swap3A = arith.index_cast %scan3A_107 : i32 to index
      %swap3A_110 = arith.constant 0 : index
      %swap3A_111 = tpu.vector_load %arg9[%swap3A, %swap3A_110] {strides = array<i32>} : memref<512x16xf32, #tpu.memory_space<vmem>>, vector<1x16xf32>,
      %swap3A_112 = vector.shape_cast %swap3A_111 : vector<1x16xf32> to vector<16xf32>
      %swap3A_113 = vector.shape_cast %broadcast_in_dim3A_109 : vector<16xf32> to vector<1x16xf32>
      tpu.vector_store %arg9[%swap3A, %swap3A_110], %swap3A_113 {strides = array<i32>} : memref<512x16xf32, #tpu.memory_space<vmem>>, vector<1x16xf32>,
    }
    %scan3A_56 = arith.constant 512 : i32
    %mul3A_57 = arith.constant 512 : i32
    %mul3A_58 = arith.muli %arg1, %mul3A_57 : i32
    "tpu.region"() ({
      %run_scoped3A_107 = tpu.sem_alloc : memref<!tpu.dma_semaphore, #tpu.memory_space<semaphore_mem>>
      %dma_start3A_108 = arith.constant 0 : i32
      %dma_start3A_109 = tpu.memref_slice %arg10[%mul3A_58, %dma_start3A_108] : memref<8192x16xf32, #tpu.memory_space<vmem_shared>> -> memref<512x16xf32, #tpu.memory_space<vmem_shared>>
      %dma_start3A_110 = arith.constant 0 : i32
      %dma_start3A_111 = tpu.memref_slice %arg10[%mul3A_58, %dma_start3A_110] : memref<8192x16xf32, #tpu.memory_space<vmem_shared>> -> memref<512x16xf32, #tpu.memory_space<vmem_shared>>
      tpu.enqueue_dma source(%arg9 : memref<512x16xf32, #tpu.memory_space<vmem>>) target(%dma_start3A_111 : memref<512x16xf32, #tpu.memory_space<vmem_shared>>) target_semaphore(%run_scoped3A_107 : memref<!tpu.dma_semaphore, #tpu.memory_space<semaphore_mem>>)
      %dma_wait3A_112 = arith.constant 0 : i32
      %dma_wait3A_113 = tpu.memref_slice %arg10[%mul3A_58, %dma_wait3A_112] : memref<8192x16xf32, #tpu.memory_space<vmem_shared>> -> memref<512x16xf32, #tpu.memory_space<vmem_shared>>
      %dma_wait3A_114 = arith.constant 0 : i32
      %dma_wait3A_115 = tpu.memref_slice %arg10[%mul3A_58, %dma_wait3A_114] : memref<8192x16xf32, #tpu.memory_space<vmem_shared>> -> memref<512x16xf32, #tpu.memory_space<vmem_shared>>
      tpu.wait_dma2 semaphore(%run_scoped3A_107 : memref<!tpu.dma_semaphore, #tpu.memory_space<semaphore_mem>>) src(%arg9 : memref<512x16xf32, #tpu.memory_space<vmem>>) dst(%dma_wait3A_115 : memref<512x16xf32, #tpu.memory_space<vmem_shared>>)
      tpu.yield
    }) : () -> ()
    %barrier3A = arith.constant 0 : index
    tpu.barrier barrier_id(%barrier3A)
    %run_scoped3A = arith.constant 0 : i32
    "tpu.region"() ({
      %run_scoped3A_107 = tpu.sem_alloc : memref<!tpu.dma_semaphore, #tpu.memory_space<semaphore_mem>>
      %dma_start3A_108 = arith.constant 0 : i32
      %dma_start3A_109 = tpu.memref_slice %arg6[%run_scoped3A, %dma_start3A_108] : memref<4x128xi32, #tpu.memory_space<vmem>> -> memref<1x128xi32, #tpu.memory_space<vmem>>
      %dma_start3A_110 = tpu.memref_squeeze %dma_start3A_109 : memref<1x128xi32, #tpu.memory_space<vmem>> -> memref<128xi32, #tpu.memory_space<vmem>>
      %dma_start3A_111 = arith.constant 0 : i32
      %dma_start3A_112 = arith.constant 0 : i32
      %dma_start3A_113 = tpu.memref_slice %arg10[%dma_start3A_111, %dma_start3A_112] : memref<8192x16xf32, #tpu.memory_space<vmem_shared>> -> memref<8192x16xf32, #tpu.memory_space<vmem_shared>>
      tpu.enqueue_indirect_dma source(%arg8 : memref<128x16xf32, #tpu.memory_space<vmem>>) target(%dma_start3A_113 : memref<8192x16xf32, #tpu.memory_space<vmem_shared>>) offsets(%dma_start3A_110 : memref<128xi32, #tpu.memory_space<vmem>>) semaphore(%run_scoped3A_107 : memref<!tpu.dma_semaphore, #tpu.memory_space<semaphore_mem>>) {add = true}
      %dma_wait3A_114 = arith.constant 0 : i32
      %dma_wait3A_115 = tpu.memref_slice %arg6[%run_scoped3A, %dma_wait3A_114] : memref<4x128xi32, #tpu.memory_space<vmem>> -> memref<1x128xi32, #tpu.memory_space<vmem>>
      %dma_wait3A_116 = tpu.memref_squeeze %dma_wait3A_115 : memref<1x128xi32, #tpu.memory_space<vmem>> -> memref<128xi32, #tpu.memory_space<vmem>>
      %dma_wait3A_117 = arith.constant 0 : i32
      %dma_wait3A_118 = arith.constant 0 : i32
      %dma_wait3A_119 = tpu.memref_slice %arg10[%dma_wait3A_117, %dma_wait3A_118] : memref<8192x16xf32, #tpu.memory_space<vmem_shared>> -> memref<8192x16xf32, #tpu.memory_space<vmem_shared>>
      tpu.wait_indirect_dma semaphore(%run_scoped3A_107 : memref<!tpu.dma_semaphore, #tpu.memory_space<semaphore_mem>>) src(%arg8 : memref<128x16xf32, #tpu.memory_space<vmem>>) dst(%dma_wait3A_119 : memref<8192x16xf32, #tpu.memory_space<vmem_shared>>)
      tpu.yield
    }) : () -> ()
    %run_scoped3A_59 = arith.constant 1 : i32
    "tpu.region"() ({
      %run_scoped3A_107 = tpu.sem_alloc : memref<!tpu.dma_semaphore, #tpu.memory_space<semaphore_mem>>
      %dma_start3A_108 = arith.constant 0 : i32
      %dma_start3A_109 = tpu.memref_slice %arg6[%run_scoped3A_59, %dma_start3A_108] : memref<4x128xi32, #tpu.memory_space<vmem>> -> memref<1x128xi32, #tpu.memory_space<vmem>>
      %dma_start3A_110 = tpu.memref_squeeze %dma_start3A_109 : memref<1x128xi32, #tpu.memory_space<vmem>> -> memref<128xi32, #tpu.memory_space<vmem>>
      %dma_start3A_111 = arith.constant 0 : i32
      %dma_start3A_112 = arith.constant 0 : i32
      %dma_start3A_113 = tpu.memref_slice %arg10[%dma_start3A_111, %dma_start3A_112] : memref<8192x16xf32, #tpu.memory_space<vmem_shared>> -> memref<8192x16xf32, #tpu.memory_space<vmem_shared>>
      tpu.enqueue_indirect_dma source(%arg8 : memref<128x16xf32, #tpu.memory_space<vmem>>) target(%dma_start3A_113 : memref<8192x16xf32, #tpu.memory_space<vmem_shared>>) offsets(%dma_start3A_110 : memref<128xi32, #tpu.memory_space<vmem>>) semaphore(%run_scoped3A_107 : memref<!tpu.dma_semaphore, #tpu.memory_space<semaphore_mem>>) {add = true}
      %dma_wait3A_114 = arith.constant 0 : i32
      %dma_wait3A_115 = tpu.memref_slice %arg6[%run_scoped3A_59, %dma_wait3A_114] : memref<4x128xi32, #tpu.memory_space<vmem>> -> memref<1x128xi32, #tpu.memory_space<vmem>>
      %dma_wait3A_116 = tpu.memref_squeeze %dma_wait3A_115 : memref<1x128xi32, #tpu.memory_space<vmem>> -> memref<128xi32, #tpu.memory_space<vmem>>
      %dma_wait3A_117 = arith.constant 0 : i32
      %dma_wait3A_118 = arith.constant 0 : i32
      %dma_wait3A_119 = tpu.memref_slice %arg10[%dma_wait3A_117, %dma_wait3A_118] : memref<8192x16xf32, #tpu.memory_space<vmem_shared>> -> memref<8192x16xf32, #tpu.memory_space<vmem_shared>>
      tpu.wait_indirect_dma semaphore(%run_scoped3A_107 : memref<!tpu.dma_semaphore, #tpu.memory_space<semaphore_mem>>) src(%arg8 : memref<128x16xf32, #tpu.memory_space<vmem>>) dst(%dma_wait3A_119 : memref<8192x16xf32, #tpu.memory_space<vmem_shared>>)
      tpu.yield
    }) : () -> ()
    %run_scoped3A_60 = arith.constant 2 : i32
    "tpu.region"() ({
      %run_scoped3A_107 = tpu.sem_alloc : memref<!tpu.dma_semaphore, #tpu.memory_space<semaphore_mem>>
      %dma_start3A_108 = arith.constant 0 : i32
      %dma_start3A_109 = tpu.memref_slice %arg6[%run_scoped3A_60, %dma_start3A_108] : memref<4x128xi32, #tpu.memory_space<vmem>> -> memref<1x128xi32, #tpu.memory_space<vmem>>
      %dma_start3A_110 = tpu.memref_squeeze %dma_start3A_109 : memref<1x128xi32, #tpu.memory_space<vmem>> -> memref<128xi32, #tpu.memory_space<vmem>>
      %dma_start3A_111 = arith.constant 0 : i32
      %dma_start3A_112 = arith.constant 0 : i32
      %dma_start3A_113 = tpu.memref_slice %arg10[%dma_start3A_111, %dma_start3A_112] : memref<8192x16xf32, #tpu.memory_space<vmem_shared>> -> memref<8192x16xf32, #tpu.memory_space<vmem_shared>>
      tpu.enqueue_indirect_dma source(%arg8 : memref<128x16xf32, #tpu.memory_space<vmem>>) target(%dma_start3A_113 : memref<8192x16xf32, #tpu.memory_space<vmem_shared>>) offsets(%dma_start3A_110 : memref<128xi32, #tpu.memory_space<vmem>>) semaphore(%run_scoped3A_107 : memref<!tpu.dma_semaphore, #tpu.memory_space<semaphore_mem>>) {add = true}
      %dma_wait3A_114 = arith.constant 0 : i32
      %dma_wait3A_115 = tpu.memref_slice %arg6[%run_scoped3A_60, %dma_wait3A_114] : memref<4x128xi32, #tpu.memory_space<vmem>> -> memref<1x128xi32, #tpu.memory_space<vmem>>
      %dma_wait3A_116 = tpu.memref_squeeze %dma_wait3A_115 : memref<1x128xi32, #tpu.memory_space<vmem>> -> memref<128xi32, #tpu.memory_space<vmem>>
      %dma_wait3A_117 = arith.constant 0 : i32
      %dma_wait3A_118 = arith.constant 0 : i32
      %dma_wait3A_119 = tpu.memref_slice %arg10[%dma_wait3A_117, %dma_wait3A_118] : memref<8192x16xf32, #tpu.memory_space<vmem_shared>> -> memref<8192x16xf32, #tpu.memory_space<vmem_shared>>
      tpu.wait_indirect_dma semaphore(%run_scoped3A_107 : memref<!tpu.dma_semaphore, #tpu.memory_space<semaphore_mem>>) src(%arg8 : memref<128x16xf32, #tpu.memory_space<vmem>>) dst(%dma_wait3A_119 : memref<8192x16xf32, #tpu.memory_space<vmem_shared>>)
      tpu.yield
    }) : () -> ()
    %run_scoped3A_61 = arith.constant 3 : i32
    "tpu.region"() ({
      %run_scoped3A_107 = tpu.sem_alloc : memref<!tpu.dma_semaphore, #tpu.memory_space<semaphore_mem>>
      %dma_start3A_108 = arith.constant 0 : i32
      %dma_start3A_109 = tpu.memref_slice %arg6[%run_scoped3A_61, %dma_start3A_108] : memref<4x128xi32, #tpu.memory_space<vmem>> -> memref<1x128xi32, #tpu.memory_space<vmem>>
      %dma_start3A_110 = tpu.memref_squeeze %dma_start3A_109 : memref<1x128xi32, #tpu.memory_space<vmem>> -> memref<128xi32, #tpu.memory_space<vmem>>
      %dma_start3A_111 = arith.constant 0 : i32
      %dma_start3A_112 = arith.constant 0 : i32
      %dma_start3A_113 = tpu.memref_slice %arg10[%dma_start3A_111, %dma_start3A_112] : memref<8192x16xf32, #tpu.memory_space<vmem_shared>> -> memref<8192x16xf32, #tpu.memory_space<vmem_shared>>
      tpu.enqueue_indirect_dma source(%arg8 : memref<128x16xf32, #tpu.memory_space<vmem>>) target(%dma_start3A_113 : memref<8192x16xf32, #tpu.memory_space<vmem_shared>>) offsets(%dma_start3A_110 : memref<128xi32, #tpu.memory_space<vmem>>) semaphore(%run_scoped3A_107 : memref<!tpu.dma_semaphore, #tpu.memory_space<semaphore_mem>>) {add = true}
      %dma_wait3A_114 = arith.constant 0 : i32
      %dma_wait3A_115 = tpu.memref_slice %arg6[%run_scoped3A_61, %dma_wait3A_114] : memref<4x128xi32, #tpu.memory_space<vmem>> -> memref<1x128xi32, #tpu.memory_space<vmem>>
      %dma_wait3A_116 = tpu.memref_squeeze %dma_wait3A_115 : memref<1x128xi32, #tpu.memory_space<vmem>> -> memref<128xi32, #tpu.memory_space<vmem>>
      %dma_wait3A_117 = arith.constant 0 : i32
      %dma_wait3A_118 = arith.constant 0 : i32
      %dma_wait3A_119 = tpu.memref_slice %arg10[%dma_wait3A_117, %dma_wait3A_118] : memref<8192x16xf32, #tpu.memory_space<vmem_shared>> -> memref<8192x16xf32, #tpu.memory_space<vmem_shared>>
      tpu.wait_indirect_dma semaphore(%run_scoped3A_107 : memref<!tpu.dma_semaphore, #tpu.memory_space<semaphore_mem>>) src(%arg8 : memref<128x16xf32, #tpu.memory_space<vmem>>) dst(%dma_wait3A_119 : memref<8192x16xf32, #tpu.memory_space<vmem_shared>>)
      tpu.yield
    }) : () -> ()
    %barrier3A_62 = arith.constant 0 : index
    tpu.barrier barrier_id(%barrier3A_62)
    %eq3A_63 = arith.constant 0 : i32
    %eq3A_64 = arith.cmpi eq, %arg1, %eq3A_63 : i32
    %convert_element_type3A = arith.extui %eq3A_64 : i1 to i32
    %cond3A = arith.constant 0 : i32
    %cond3A_65 = arith.cmpi ne, %convert_element_type3A, %cond3A : i32
    scf.if %cond3A_65 {
      "tpu.region"() ({
        %run_scoped3A_107 = tpu.sem_alloc : memref<!tpu.dma_semaphore, #tpu.memory_space<semaphore_mem>>
        %dma_start3A_108 = arith.constant 0 : i32
        %dma_start3A_109 = arith.constant 0 : i32
        %dma_start3A_110 = tpu.memref_slice %arg5[%arg0, %dma_start3A_108, %dma_start3A_109] : memref<2x8192x16xf32, #tpu.memory_space<hbm>> -> memref<1x8192x16xf32, #tpu.memory_space<hbm>>
        %dma_start3A_111 = tpu.memref_squeeze %dma_start3A_110 : memref<1x8192x16xf32, #tpu.memory_space<hbm>> -> memref<8192x16xf32, #tpu.memory_space<hbm>>
        tpu.enqueue_dma source(%arg10 : memref<8192x16xf32, #tpu.memory_space<vmem_shared>>) target(%dma_start3A_111 : memref<8192x16xf32, #tpu.memory_space<hbm>>) target_semaphore(%run_scoped3A_107 : memref<!tpu.dma_semaphore, #tpu.memory_space<semaphore_mem>>)
        %dma_wait3A_112 = arith.constant 0 : i32
        %dma_wait3A_113 = arith.constant 0 : i32
        %dma_wait3A_114 = tpu.memref_slice %arg5[%arg0, %dma_wait3A_112, %dma_wait3A_113] : memref<2x8192x16xf32, #tpu.memory_space<hbm>> -> memref<1x8192x16xf32, #tpu.memory_space<hbm>>
        %dma_wait3A_115 = tpu.memref_squeeze %dma_wait3A_114 : memref<1x8192x16xf32, #tpu.memory_space<hbm>> -> memref<8192x16xf32, #tpu.memory_space<hbm>>
        tpu.wait_dma2 semaphore(%run_scoped3A_107 : memref<!tpu.dma_semaphore, #tpu.memory_space<semaphore_mem>>) src(%arg10 : memref<8192x16xf32, #tpu.memory_space<vmem_shared>>) dst(%dma_wait3A_115 : memref<8192x16xf32, #tpu.memory_space<hbm>>)
        tpu.yield
      }) : () -> ()
    } else {
    }
    %dma_wait3A = arith.constant 0 : i32
    %dma_wait3A_66 = arith.constant 0 : i32
    %dma_wait3A_67 = arith.constant 0 : i32
    %dma_wait3A_68 = tpu.memref_slice %arg7[%dma_wait3A_66, %dma_wait3A_67] : memref<512x64xf32, #tpu.memory_space<vmem>> -> memref<128x64xf32, #tpu.memory_space<vmem>>
    %dma_wait3A_69 = arith.constant 0 : i32
    %dma_wait3A_70 = tpu.memref_slice %arg6[%dma_wait3A, %dma_wait3A_69] : memref<4x128xi32, #tpu.memory_space<vmem>> -> memref<1x128xi32, #tpu.memory_space<vmem>>
    %dma_wait3A_71 = tpu.memref_squeeze %dma_wait3A_70 : memref<1x128xi32, #tpu.memory_space<vmem>> -> memref<128xi32, #tpu.memory_space<vmem>>
    %dma_wait3A_72 = arith.constant 0 : i32
    %dma_wait3A_73 = arith.constant 0 : i32
    %dma_wait3A_74 = tpu.memref_slice %arg2[%dma_wait3A_72, %dma_wait3A_73] : memref<8192x64xf32, #tpu.memory_space<hbm>> -> memref<8192x64xf32, #tpu.memory_space<hbm>>
    tpu.wait_indirect_dma semaphore(%arg11 : memref<!tpu.dma_semaphore, #tpu.memory_space<semaphore_mem>>) src(%dma_wait3A_74 : memref<8192x64xf32, #tpu.memory_space<hbm>>) dst(%dma_wait3A_68 : memref<128x64xf32, #tpu.memory_space<vmem>>)
    %dma_wait3A_75 = arith.constant 1 : i32
    %dma_wait3A_76 = arith.constant 128 : i32
    %dma_wait3A_77 = arith.constant 0 : i32
    %dma_wait3A_78 = tpu.memref_slice %arg7[%dma_wait3A_76, %dma_wait3A_77] : memref<512x64xf32, #tpu.memory_space<vmem>> -> memref<128x64xf32, #tpu.memory_space<vmem>>
    %dma_wait3A_79 = arith.constant 0 : i32
    %dma_wait3A_80 = tpu.memref_slice %arg6[%dma_wait3A_75, %dma_wait3A_79] : memref<4x128xi32, #tpu.memory_space<vmem>> -> memref<1x128xi32, #tpu.memory_space<vmem>>
    %dma_wait3A_81 = tpu.memref_squeeze %dma_wait3A_80 : memref<1x128xi32, #tpu.memory_space<vmem>> -> memref<128xi32, #tpu.memory_space<vmem>>
    %dma_wait3A_82 = arith.constant 0 : i32
    %dma_wait3A_83 = arith.constant 0 : i32
    %dma_wait3A_84 = tpu.memref_slice %arg2[%dma_wait3A_82, %dma_wait3A_83] : memref<8192x64xf32, #tpu.memory_space<hbm>> -> memref<8192x64xf32, #tpu.memory_space<hbm>>
    tpu.wait_indirect_dma semaphore(%arg11 : memref<!tpu.dma_semaphore, #tpu.memory_space<semaphore_mem>>) src(%dma_wait3A_84 : memref<8192x64xf32, #tpu.memory_space<hbm>>) dst(%dma_wait3A_78 : memref<128x64xf32, #tpu.memory_space<vmem>>)
    %dma_wait3A_85 = arith.constant 2 : i32
    %dma_wait3A_86 = arith.constant 256 : i32
    %dma_wait3A_87 = arith.constant 0 : i32
    %dma_wait3A_88 = tpu.memref_slice %arg7[%dma_wait3A_86, %dma_wait3A_87] : memref<512x64xf32, #tpu.memory_space<vmem>> -> memref<128x64xf32, #tpu.memory_space<vmem>>
    %dma_wait3A_89 = arith.constant 0 : i32
    %dma_wait3A_90 = tpu.memref_slice %arg6[%dma_wait3A_85, %dma_wait3A_89] : memref<4x128xi32, #tpu.memory_space<vmem>> -> memref<1x128xi32, #tpu.memory_space<vmem>>
    %dma_wait3A_91 = tpu.memref_squeeze %dma_wait3A_90 : memref<1x128xi32, #tpu.memory_space<vmem>> -> memref<128xi32, #tpu.memory_space<vmem>>
    %dma_wait3A_92 = arith.constant 0 : i32
    %dma_wait3A_93 = arith.constant 0 : i32
    %dma_wait3A_94 = tpu.memref_slice %arg2[%dma_wait3A_92, %dma_wait3A_93] : memref<8192x64xf32, #tpu.memory_space<hbm>> -> memref<8192x64xf32, #tpu.memory_space<hbm>>
    tpu.wait_indirect_dma semaphore(%arg11 : memref<!tpu.dma_semaphore, #tpu.memory_space<semaphore_mem>>) src(%dma_wait3A_94 : memref<8192x64xf32, #tpu.memory_space<hbm>>) dst(%dma_wait3A_88 : memref<128x64xf32, #tpu.memory_space<vmem>>)
    %dma_wait3A_95 = arith.constant 3 : i32
    %dma_wait3A_96 = arith.constant 384 : i32
    %dma_wait3A_97 = arith.constant 0 : i32
    %dma_wait3A_98 = tpu.memref_slice %arg7[%dma_wait3A_96, %dma_wait3A_97] : memref<512x64xf32, #tpu.memory_space<vmem>> -> memref<128x64xf32, #tpu.memory_space<vmem>>
    %dma_wait3A_99 = arith.constant 0 : i32
    %dma_wait3A_100 = tpu.memref_slice %arg6[%dma_wait3A_95, %dma_wait3A_99] : memref<4x128xi32, #tpu.memory_space<vmem>> -> memref<1x128xi32, #tpu.memory_space<vmem>>
    %dma_wait3A_101 = tpu.memref_squeeze %dma_wait3A_100 : memref<1x128xi32, #tpu.memory_space<vmem>> -> memref<128xi32, #tpu.memory_space<vmem>>
    %dma_wait3A_102 = arith.constant 0 : i32
    %dma_wait3A_103 = arith.constant 0 : i32
    %dma_wait3A_104 = tpu.memref_slice %arg2[%dma_wait3A_102, %dma_wait3A_103] : memref<8192x64xf32, #tpu.memory_space<hbm>> -> memref<8192x64xf32, #tpu.memory_space<hbm>>
    tpu.wait_indirect_dma semaphore(%arg11 : memref<!tpu.dma_semaphore, #tpu.memory_space<semaphore_mem>>) src(%dma_wait3A_104 : memref<8192x64xf32, #tpu.memory_space<hbm>>) dst(%dma_wait3A_98 : memref<128x64xf32, #tpu.memory_space<vmem>>)
    %mul3A_105 = arith.constant 512 : i32
    %mul3A_106 = arith.muli %add3A, %mul3A_105 : i32
    "tpu.region"() ({
      %run_scoped3A_107 = tpu.sem_alloc : memref<!tpu.dma_semaphore, #tpu.memory_space<semaphore_mem>>
      %dma_start3A_108 = arith.constant 0 : i32
      %dma_start3A_109 = tpu.memref_slice %arg4[%mul3A_106, %dma_start3A_108] : memref<16384x64xf32, #tpu.memory_space<hbm>> -> memref<512x64xf32, #tpu.memory_space<hbm>>
      %dma_start3A_110 = arith.constant 0 : i32
      %dma_start3A_111 = tpu.memref_slice %arg4[%mul3A_106, %dma_start3A_110] : memref<16384x64xf32, #tpu.memory_space<hbm>> -> memref<512x64xf32, #tpu.memory_space<hbm>>
      tpu.enqueue_dma source(%arg7 : memref<512x64xf32, #tpu.memory_space<vmem>>) target(%dma_start3A_111 : memref<512x64xf32, #tpu.memory_space<hbm>>) target_semaphore(%run_scoped3A_107 : memref<!tpu.dma_semaphore, #tpu.memory_space<semaphore_mem>>)
      %dma_wait3A_112 = arith.constant 0 : i32
      %dma_wait3A_113 = tpu.memref_slice %arg4[%mul3A_106, %dma_wait3A_112] : memref<16384x64xf32, #tpu.memory_space<hbm>> -> memref<512x64xf32, #tpu.memory_space<hbm>>
      %dma_wait3A_114 = arith.constant 0 : i32
      %dma_wait3A_115 = tpu.memref_slice %arg4[%mul3A_106, %dma_wait3A_114] : memref<16384x64xf32, #tpu.memory_space<hbm>> -> memref<512x64xf32, #tpu.memory_space<hbm>>
      tpu.wait_dma2 semaphore(%run_scoped3A_107 : memref<!tpu.dma_semaphore, #tpu.memory_space<semaphore_mem>>) src(%arg7 : memref<512x64xf32, #tpu.memory_space<vmem>>) dst(%dma_wait3A_115 : memref<512x64xf32, #tpu.memory_space<hbm>>)
      tpu.yield
    }) : () -> ()
    return
  }
}

module attributes {stable_mosaic.version = 14 : i64} {
  func.func @_proj_body(%arg0: memref<8192x64xf32, #tpu.memory_space<vmem>>, %arg1: memref<64x64xf32, #tpu.memory_space<vmem>>, %arg2: memref<1x64xf32, #tpu.memory_space<vmem>>, %arg3: memref<8192x64xf32, #tpu.memory_space<vmem>>, %arg4: memref<1x8192xf32, #tpu.memory_space<vmem>>) attributes {dimension_semantics = [], scalar_prefetch = 0 : i64, scratch_operands = 0 : i64, tpu.core_type = #tpu.core_type<tc>} {
    %get3A = arith.constant 0 : index
    %get3A_0 = arith.constant 0 : index
    %get3A_1 = vector.load %arg0[%get3A, %get3A_0] : memref<8192x64xf32, #tpu.memory_space<vmem>>, vector<8192x64xf32>
    %get3A_2 = arith.constant 0 : index
    %get3A_3 = arith.constant 0 : index
    %get3A_4 = vector.load %arg1[%get3A_2, %get3A_3] : memref<64x64xf32, #tpu.memory_space<vmem>>, vector<64x64xf32>
    %dot_general3A = arith.constant dense<0.000000e+00> : vector<8192x64xf32>
    %dot_general3A_5 = tpu.matmul %get3A_1, %get3A_4, %dot_general3A {dimension_numbers = #tpu.dot_dimension_numbers<[1], [1], [0], [0], [0, 0, 1, 0], [], []>, transpose_lhs_hint = false} : vector<8192x64xf32>, vector<64x64xf32>, vector<8192x64xf32> -> vector<8192x64xf32>
    %get3A_6 = arith.constant 0 : index
    %get3A_7 = arith.constant 0 : index
    %get3A_8 = vector.load %arg2[%get3A_6, %get3A_7] : memref<1x64xf32, #tpu.memory_space<vmem>>, vector<1x64xf32>
    %add3A = vector.broadcast %get3A_8 : vector<1x64xf32> to vector<8192x64xf32>
    %add3A_9 = arith.addf %dot_general3A_5, %add3A : vector<8192x64xf32>
    %swap3A = arith.constant 0 : index
    %swap3A_10 = arith.constant 0 : index
    %swap3A_11 = vector.load %arg3[%swap3A, %swap3A_10] : memref<8192x64xf32, #tpu.memory_space<vmem>>, vector<8192x64xf32>
    tpu.vector_store %arg3[%swap3A, %swap3A_10], %add3A_9 {strides = array<i32>} : memref<8192x64xf32, #tpu.memory_space<vmem>>, vector<8192x64xf32>,
    %broadcast_in_dim3A = arith.constant 1.000000e+00 : f32
    %broadcast_in_dim3A_12 = vector.broadcast %broadcast_in_dim3A : f32 to vector<1x64xf32>
    %mul3A = arith.mulf %add3A_9, %add3A_9 : vector<8192x64xf32>
    %dot_general3A_13 = arith.constant dense<0.000000e+00> : vector<1x8192xf32>
    %dot_general3A_14 = tpu.matmul %broadcast_in_dim3A_12, %mul3A, %dot_general3A_13 {dimension_numbers = #tpu.dot_dimension_numbers<[1], [1], [0], [0], [0, 0, 1, 0], [], []>, precision = #tpu.contract_precision<fp32>, transpose_lhs_hint = false} : vector<1x64xf32>, vector<8192x64xf32>, vector<1x8192xf32> -> vector<1x8192xf32>
    %swap3A_15 = arith.constant 0 : index
    %swap3A_16 = arith.constant 0 : index
    %swap3A_17 = vector.load %arg4[%swap3A_15, %swap3A_16] : memref<1x8192xf32, #tpu.memory_space<vmem>>, vector<1x8192xf32>
    tpu.vector_store %arg4[%swap3A_15, %swap3A_16], %dot_general3A_14 {strides = array<i32>} : memref<1x8192xf32, #tpu.memory_space<vmem>>, vector<1x8192xf32>,
    return
  }
}

module attributes {stable_mosaic.version = 14 : i64} {
  func.func @_argmin_body(%arg0: i32, %arg1: memref<1024x64xf32, #tpu.memory_space<vmem>>, %arg2: memref<8192x64xf32, #tpu.memory_space<vmem>>, %arg3: memref<1x8192xf32, #tpu.memory_space<vmem>>, %arg4: memref<1024x1xi32, #tpu.memory_space<vmem>>) attributes {dimension_semantics = [#tpu.dimension_semantics<arbitrary>], iteration_bounds = array<i64: 16>, scalar_prefetch = 0 : i64, scratch_operands = 0 : i64, tpu.core_type = #tpu.core_type<tc>, window_params = [{transform_indices = @transform_0, window_bounds = array<i64: 1024, 64>}, {pipeline_mode = #tpu.pipeline_mode<synchronous>, transform_indices = @transform_1, window_bounds = array<i64: 8192, 64>}, {pipeline_mode = #tpu.pipeline_mode<synchronous>, transform_indices = @transform_2, window_bounds = array<i64: 1, 8192>}, {transform_indices = @transform_3, window_bounds = array<i64: 1024, 1>}]} {
    %get3A = arith.constant 0 : index
    %get3A_0 = arith.constant 0 : index
    %get3A_1 = vector.load %arg1[%get3A, %get3A_0] : memref<1024x64xf32, #tpu.memory_space<vmem>>, vector<1024x64xf32>
    %mul3A = arith.mulf %get3A_1, %get3A_1 : vector<1024x64xf32>
    %reduce_sum3A = arith.constant dense<0.000000e+00> : vector<1024xf32>
    %reduce_sum3A_2 = vector.multi_reduction <add>, %mul3A, %reduce_sum3A [1] : vector<1024x64xf32> to vector<1024xf32>
    %broadcast_in_dim3A = vector.shape_cast %reduce_sum3A_2 : vector<1024xf32> to vector<1024x1xf32>
    %mul3A_3 = arith.constant -2.000000e+00 : f32
    %mul3A_4 = vector.broadcast %mul3A_3 : f32 to vector<1024x64xf32>
    %mul3A_5 = arith.mulf %mul3A_4, %get3A_1 : vector<1024x64xf32>
    %iota3A = tpu.iota {dimensions = array<i32: 1>} : vector<1024x2048xi32>
    %broadcast_in_dim3A_6 = arith.constant 0x7F800000 : f32
    %broadcast_in_dim3A_7 = vector.broadcast %broadcast_in_dim3A_6 : f32 to vector<1024x1xf32>
    %broadcast_in_dim3A_8 = arith.constant 0 : i32
    %broadcast_in_dim3A_9 = vector.broadcast %broadcast_in_dim3A_8 : i32 to vector<1024x1xi32>
    %get3A_10 = arith.constant 0 : index
    %get3A_11 = arith.constant 0 : index
    %get3A_12 = vector.load %arg2[%get3A_10, %get3A_11] : memref<8192x64xf32, #tpu.memory_space<vmem>>, vector<2048x64xf32>
    %get3A_13 = arith.constant 0 : index
    %get3A_14 = arith.constant 0 : index
    %get3A_15 = vector.load %arg3[%get3A_13, %get3A_14] : memref<1x8192xf32, #tpu.memory_space<vmem>>, vector<1x2048xf32>
    %dot_general3A = arith.constant dense<0.000000e+00> : vector<1024x2048xf32>
    %dot_general3A_16 = tpu.matmul %mul3A_5, %get3A_12, %dot_general3A {dimension_numbers = #tpu.dot_dimension_numbers<[1], [1], [0], [0], [0, 0, 1, 0], [], []>, transpose_lhs_hint = false} : vector<1024x64xf32>, vector<2048x64xf32>, vector<1024x2048xf32> -> vector<1024x2048xf32>
    %add3A = vector.broadcast %broadcast_in_dim3A : vector<1024x1xf32> to vector<1024x2048xf32>
    %add3A_17 = vector.broadcast %get3A_15 : vector<1x2048xf32> to vector<1024x2048xf32>
    %add3A_18 = arith.addf %add3A, %add3A_17 : vector<1024x2048xf32>
    %add3A_19 = arith.addf %add3A_18, %dot_general3A_16 : vector<1024x2048xf32>
    %reduce_min3A = arith.constant dense<0x7F800000> : vector<1024xf32>
    %reduce_min3A_20 = vector.multi_reduction <minimumf>, %add3A_19, %reduce_min3A [1] : vector<1024x2048xf32> to vector<1024xf32>
    %broadcast_in_dim3A_21 = vector.shape_cast %reduce_min3A_20 : vector<1024xf32> to vector<1024x1xf32>
    %eq3A = vector.broadcast %broadcast_in_dim3A_21 : vector<1024x1xf32> to vector<1024x2048xf32>
    %eq3A_22 = arith.cmpf oeq, %add3A_19, %eq3A : vector<1024x2048xf32>
    %jit3A = arith.constant 1073741824 : i32
    %broadcast_in_dim3A_23 = vector.broadcast %jit3A : i32 to vector<1024x2048xi32>
    %select_n3A = arith.select %eq3A_22, %iota3A, %broadcast_in_dim3A_23 : vector<1024x2048xi1>, vector<1024x2048xi32>
    %reduce_min3A_24 = arith.constant dense<2147483647> : vector<1024xi32>
    %reduce_min3A_25 = vector.multi_reduction <minsi>, %select_n3A, %reduce_min3A_24 [1] : vector<1024x2048xi32> to vector<1024xi32>
    %broadcast_in_dim3A_26 = vector.shape_cast %reduce_min3A_25 : vector<1024xi32> to vector<1024x1xi32>
    %lt3A = arith.cmpf olt, %broadcast_in_dim3A_21, %broadcast_in_dim3A_7 : vector<1024x1xf32>
    %add3A_27 = arith.constant 0 : i32
    %add3A_28 = vector.broadcast %add3A_27 : i32 to vector<1024x1xi32>
    %add3A_29 = arith.addi %broadcast_in_dim3A_26, %add3A_28 : vector<1024x1xi32>
    %select_n3A_30 = arith.select %lt3A, %add3A_29, %broadcast_in_dim3A_9 : vector<1024x1xi1>, vector<1024x1xi32>
    %select_n3A_31 = arith.select %lt3A, %broadcast_in_dim3A_21, %broadcast_in_dim3A_7 : vector<1024x1xi1>, vector<1024x1xf32>
    %get3A_32 = arith.constant 2048 : index
    %get3A_33 = arith.constant 0 : index
    %get3A_34 = vector.load %arg2[%get3A_32, %get3A_33] : memref<8192x64xf32, #tpu.memory_space<vmem>>, vector<2048x64xf32>
    %get3A_35 = arith.constant 0 : index
    %get3A_36 = arith.constant 2048 : index
    %get3A_37 = vector.load %arg3[%get3A_35, %get3A_36] : memref<1x8192xf32, #tpu.memory_space<vmem>>, vector<1x2048xf32>
    %dot_general3A_38 = arith.constant dense<0.000000e+00> : vector<1024x2048xf32>
    %dot_general3A_39 = tpu.matmul %mul3A_5, %get3A_34, %dot_general3A_38 {dimension_numbers = #tpu.dot_dimension_numbers<[1], [1], [0], [0], [0, 0, 1, 0], [], []>, transpose_lhs_hint = false} : vector<1024x64xf32>, vector<2048x64xf32>, vector<1024x2048xf32> -> vector<1024x2048xf32>
    %add3A_40 = vector.broadcast %broadcast_in_dim3A : vector<1024x1xf32> to vector<1024x2048xf32>
    %add3A_41 = vector.broadcast %get3A_37 : vector<1x2048xf32> to vector<1024x2048xf32>
    %add3A_42 = arith.addf %add3A_40, %add3A_41 : vector<1024x2048xf32>
    %add3A_43 = arith.addf %add3A_42, %dot_general3A_39 : vector<1024x2048xf32>
    %reduce_min3A_44 = arith.constant dense<0x7F800000> : vector<1024xf32>
    %reduce_min3A_45 = vector.multi_reduction <minimumf>, %add3A_43, %reduce_min3A_44 [1] : vector<1024x2048xf32> to vector<1024xf32>
    %broadcast_in_dim3A_46 = vector.shape_cast %reduce_min3A_45 : vector<1024xf32> to vector<1024x1xf32>
    %eq3A_47 = vector.broadcast %broadcast_in_dim3A_46 : vector<1024x1xf32> to vector<1024x2048xf32>
    %eq3A_48 = arith.cmpf oeq, %add3A_43, %eq3A_47 : vector<1024x2048xf32>
    %jit3A_49 = arith.constant 1073741824 : i32
    %broadcast_in_dim3A_50 = vector.broadcast %jit3A_49 : i32 to vector<1024x2048xi32>
    %select_n3A_51 = arith.select %eq3A_48, %iota3A, %broadcast_in_dim3A_50 : vector<1024x2048xi1>, vector<1024x2048xi32>
    %reduce_min3A_52 = arith.constant dense<2147483647> : vector<1024xi32>
    %reduce_min3A_53 = vector.multi_reduction <minsi>, %select_n3A_51, %reduce_min3A_52 [1] : vector<1024x2048xi32> to vector<1024xi32>
    %broadcast_in_dim3A_54 = vector.shape_cast %reduce_min3A_53 : vector<1024xi32> to vector<1024x1xi32>
    %lt3A_55 = arith.cmpf olt, %broadcast_in_dim3A_46, %select_n3A_31 : vector<1024x1xf32>
    %add3A_56 = arith.constant 2048 : i32
    %add3A_57 = vector.broadcast %add3A_56 : i32 to vector<1024x1xi32>
    %add3A_58 = arith.addi %broadcast_in_dim3A_54, %add3A_57 : vector<1024x1xi32>
    %select_n3A_59 = arith.select %lt3A_55, %add3A_58, %select_n3A_30 : vector<1024x1xi1>, vector<1024x1xi32>
    %select_n3A_60 = arith.select %lt3A_55, %broadcast_in_dim3A_46, %select_n3A_31 : vector<1024x1xi1>, vector<1024x1xf32>
    %get3A_61 = arith.constant 4096 : index
    %get3A_62 = arith.constant 0 : index
    %get3A_63 = vector.load %arg2[%get3A_61, %get3A_62] : memref<8192x64xf32, #tpu.memory_space<vmem>>, vector<2048x64xf32>
    %get3A_64 = arith.constant 0 : index
    %get3A_65 = arith.constant 4096 : index
    %get3A_66 = vector.load %arg3[%get3A_64, %get3A_65] : memref<1x8192xf32, #tpu.memory_space<vmem>>, vector<1x2048xf32>
    %dot_general3A_67 = arith.constant dense<0.000000e+00> : vector<1024x2048xf32>
    %dot_general3A_68 = tpu.matmul %mul3A_5, %get3A_63, %dot_general3A_67 {dimension_numbers = #tpu.dot_dimension_numbers<[1], [1], [0], [0], [0, 0, 1, 0], [], []>, transpose_lhs_hint = false} : vector<1024x64xf32>, vector<2048x64xf32>, vector<1024x2048xf32> -> vector<1024x2048xf32>
    %add3A_69 = vector.broadcast %broadcast_in_dim3A : vector<1024x1xf32> to vector<1024x2048xf32>
    %add3A_70 = vector.broadcast %get3A_66 : vector<1x2048xf32> to vector<1024x2048xf32>
    %add3A_71 = arith.addf %add3A_69, %add3A_70 : vector<1024x2048xf32>
    %add3A_72 = arith.addf %add3A_71, %dot_general3A_68 : vector<1024x2048xf32>
    %reduce_min3A_73 = arith.constant dense<0x7F800000> : vector<1024xf32>
    %reduce_min3A_74 = vector.multi_reduction <minimumf>, %add3A_72, %reduce_min3A_73 [1] : vector<1024x2048xf32> to vector<1024xf32>
    %broadcast_in_dim3A_75 = vector.shape_cast %reduce_min3A_74 : vector<1024xf32> to vector<1024x1xf32>
    %eq3A_76 = vector.broadcast %broadcast_in_dim3A_75 : vector<1024x1xf32> to vector<1024x2048xf32>
    %eq3A_77 = arith.cmpf oeq, %add3A_72, %eq3A_76 : vector<1024x2048xf32>
    %jit3A_78 = arith.constant 1073741824 : i32
    %broadcast_in_dim3A_79 = vector.broadcast %jit3A_78 : i32 to vector<1024x2048xi32>
    %select_n3A_80 = arith.select %eq3A_77, %iota3A, %broadcast_in_dim3A_79 : vector<1024x2048xi1>, vector<1024x2048xi32>
    %reduce_min3A_81 = arith.constant dense<2147483647> : vector<1024xi32>
    %reduce_min3A_82 = vector.multi_reduction <minsi>, %select_n3A_80, %reduce_min3A_81 [1] : vector<1024x2048xi32> to vector<1024xi32>
    %broadcast_in_dim3A_83 = vector.shape_cast %reduce_min3A_82 : vector<1024xi32> to vector<1024x1xi32>
    %lt3A_84 = arith.cmpf olt, %broadcast_in_dim3A_75, %select_n3A_60 : vector<1024x1xf32>
    %add3A_85 = arith.constant 4096 : i32
    %add3A_86 = vector.broadcast %add3A_85 : i32 to vector<1024x1xi32>
    %add3A_87 = arith.addi %broadcast_in_dim3A_83, %add3A_86 : vector<1024x1xi32>
    %select_n3A_88 = arith.select %lt3A_84, %add3A_87, %select_n3A_59 : vector<1024x1xi1>, vector<1024x1xi32>
    %select_n3A_89 = arith.select %lt3A_84, %broadcast_in_dim3A_75, %select_n3A_60 : vector<1024x1xi1>, vector<1024x1xf32>
    %get3A_90 = arith.constant 6144 : index
    %get3A_91 = arith.constant 0 : index
    %get3A_92 = vector.load %arg2[%get3A_90, %get3A_91] : memref<8192x64xf32, #tpu.memory_space<vmem>>, vector<2048x64xf32>
    %get3A_93 = arith.constant 0 : index
    %get3A_94 = arith.constant 6144 : index
    %get3A_95 = vector.load %arg3[%get3A_93, %get3A_94] : memref<1x8192xf32, #tpu.memory_space<vmem>>, vector<1x2048xf32>
    %dot_general3A_96 = arith.constant dense<0.000000e+00> : vector<1024x2048xf32>
    %dot_general3A_97 = tpu.matmul %mul3A_5, %get3A_92, %dot_general3A_96 {dimension_numbers = #tpu.dot_dimension_numbers<[1], [1], [0], [0], [0, 0, 1, 0], [], []>, transpose_lhs_hint = false} : vector<1024x64xf32>, vector<2048x64xf32>, vector<1024x2048xf32> -> vector<1024x2048xf32>
    %add3A_98 = vector.broadcast %broadcast_in_dim3A : vector<1024x1xf32> to vector<1024x2048xf32>
    %add3A_99 = vector.broadcast %get3A_95 : vector<1x2048xf32> to vector<1024x2048xf32>
    %add3A_100 = arith.addf %add3A_98, %add3A_99 : vector<1024x2048xf32>
    %add3A_101 = arith.addf %add3A_100, %dot_general3A_97 : vector<1024x2048xf32>
    %reduce_min3A_102 = arith.constant dense<0x7F800000> : vector<1024xf32>
    %reduce_min3A_103 = vector.multi_reduction <minimumf>, %add3A_101, %reduce_min3A_102 [1] : vector<1024x2048xf32> to vector<1024xf32>
    %broadcast_in_dim3A_104 = vector.shape_cast %reduce_min3A_103 : vector<1024xf32> to vector<1024x1xf32>
    %eq3A_105 = vector.broadcast %broadcast_in_dim3A_104 : vector<1024x1xf32> to vector<1024x2048xf32>
    %eq3A_106 = arith.cmpf oeq, %add3A_101, %eq3A_105 : vector<1024x2048xf32>
    %jit3A_107 = arith.constant 1073741824 : i32
    %broadcast_in_dim3A_108 = vector.broadcast %jit3A_107 : i32 to vector<1024x2048xi32>
    %select_n3A_109 = arith.select %eq3A_106, %iota3A, %broadcast_in_dim3A_108 : vector<1024x2048xi1>, vector<1024x2048xi32>
    %reduce_min3A_110 = arith.constant dense<2147483647> : vector<1024xi32>
    %reduce_min3A_111 = vector.multi_reduction <minsi>, %select_n3A_109, %reduce_min3A_110 [1] : vector<1024x2048xi32> to vector<1024xi32>
    %broadcast_in_dim3A_112 = vector.shape_cast %reduce_min3A_111 : vector<1024xi32> to vector<1024x1xi32>
    %lt3A_113 = arith.cmpf olt, %broadcast_in_dim3A_104, %select_n3A_89 : vector<1024x1xf32>
    %add3A_114 = arith.constant 6144 : i32
    %add3A_115 = vector.broadcast %add3A_114 : i32 to vector<1024x1xi32>
    %add3A_116 = arith.addi %broadcast_in_dim3A_112, %add3A_115 : vector<1024x1xi32>
    %select_n3A_117 = arith.select %lt3A_113, %add3A_116, %select_n3A_88 : vector<1024x1xi1>, vector<1024x1xi32>
    %swap3A = arith.constant 0 : index
    %swap3A_118 = arith.constant 0 : index
    %swap3A_119 = vector.load %arg4[%swap3A, %swap3A_118] : memref<1024x1xi32, #tpu.memory_space<vmem>>, vector<1024x1xi32>
    tpu.vector_store %arg4[%swap3A, %swap3A_118], %select_n3A_117 {strides = array<i32>} : memref<1024x1xi32, #tpu.memory_space<vmem>>, vector<1024x1xi32>,
    return
  }
  func.func @transform_0(%arg0: i32) -> (i32, i32) {
    %c0_i32 = arith.constant 0 : i32
    %c0_i32_0 = arith.constant 0 : i32
    return %arg0, %c0_i32 : i32, i32
  }
  func.func @transform_1(%arg0: i32) -> (i32, i32) {
    %c0_i32 = arith.constant 0 : i32
    %c0_i32_0 = arith.constant 0 : i32
    %c0_i32_1 = arith.constant 0 : i32
    return %c0_i32, %c0_i32_0 : i32, i32
  }
  func.func @transform_2(%arg0: i32) -> (i32, i32) {
    %c0_i32 = arith.constant 0 : i32
    %c0_i32_0 = arith.constant 0 : i32
    %c0_i32_1 = arith.constant 0 : i32
    return %c0_i32, %c0_i32_0 : i32, i32
  }
  func.func @transform_3(%arg0: i32) -> (i32, i32) {
    %c0_i32 = arith.constant 0 : i32
    %c0_i32_0 = arith.constant 0 : i32
    return %arg0, %c0_i32 : i32, i32
  }
}

module attributes {stable_mosaic.version = 14 : i64} {
  func.func @_loss_body(%arg0: memref<16384x64xf32, #tpu.memory_space<vmem>>, %arg1: memref<16384x64xf32, #tpu.memory_space<vmem>>, %arg2: memref<16384x16xf32, #tpu.memory_space<vmem>>, %arg3: memref<1x1xf32, #tpu.memory_space<vmem>>, %arg4: memref<1x1xf32, #tpu.memory_space<vmem>>) attributes {dimension_semantics = [], scalar_prefetch = 0 : i64, scratch_operands = 0 : i64, tpu.core_type = #tpu.core_type<tc>} {
    %get3A = arith.constant 0 : index
    %get3A_0 = arith.constant 0 : index
    %get3A_1 = vector.load %arg1[%get3A, %get3A_0] : memref<16384x64xf32, #tpu.memory_space<vmem>>, vector<16384x64xf32>
    %get3A_2 = arith.constant 0 : index
    %get3A_3 = arith.constant 0 : index
    %get3A_4 = vector.load %arg0[%get3A_2, %get3A_3] : memref<16384x64xf32, #tpu.memory_space<vmem>>, vector<16384x64xf32>
    %sub3A = arith.subf %get3A_1, %get3A_4 : vector<16384x64xf32>
    %mul3A = arith.mulf %sub3A, %sub3A : vector<16384x64xf32>
    %reduce_sum3A = vector.shape_cast %mul3A : vector<16384x64xf32> to vector<1x16384x64xf32>
    %reduce_sum3A_5 = arith.constant dense<0.000000e+00> : vector<1xf32>
    %reduce_sum3A_6 = vector.multi_reduction <add>, %reduce_sum3A, %reduce_sum3A_5 [1, 2] : vector<1x16384x64xf32> to vector<1xf32>
    %reduce_sum3A_7 = vector.shape_cast %reduce_sum3A_6 : vector<1xf32> to vector<1x1x1xf32>
    %reduce_sum3A_8 = vector.extract %reduce_sum3A_7[0, 0, 0] : f32 from vector<1x1x1xf32>
    %div3A = arith.constant 0x49800000 : f32
    %div3A_9 = arith.divf %reduce_sum3A_8, %div3A : f32
    %mul3A_10 = arith.constant 2.500000e-01 : f32
    %mul3A_11 = arith.mulf %mul3A_10, %div3A_9 : f32
    %add3A = arith.addf %mul3A_11, %div3A_9 : f32
    %reshape3A = vector.broadcast %add3A : f32 to vector<1x1xf32>
    %swap3A = arith.constant 0 : index
    %swap3A_12 = arith.constant 0 : index
    %swap3A_13 = vector.load %arg3[%swap3A, %swap3A_12] : memref<1x1xf32, #tpu.memory_space<vmem>>, vector<1x1xf32>
    tpu.vector_store %arg3[%swap3A, %swap3A_12], %reshape3A {strides = array<i32>} : memref<1x1xf32, #tpu.memory_space<vmem>>, vector<1x1xf32>,
    %get3A_14 = arith.constant 0 : index
    %get3A_15 = arith.constant 0 : index
    %get3A_16 = vector.load %arg2[%get3A_14, %get3A_15] : memref<16384x16xf32, #tpu.memory_space<vmem>>, vector<8192x16xf32>
    %get3A_17 = arith.constant 8192 : index
    %get3A_18 = arith.constant 0 : index
    %get3A_19 = vector.load %arg2[%get3A_17, %get3A_18] : memref<16384x16xf32, #tpu.memory_space<vmem>>, vector<8192x16xf32>
    %add3A_20 = arith.addf %get3A_16, %get3A_19 : vector<8192x16xf32>
    %reduce_sum3A_21 = arith.constant dense<0.000000e+00> : vector<8192xf32>
    %reduce_sum3A_22 = vector.multi_reduction <add>, %add3A_20, %reduce_sum3A_21 [1] : vector<8192x16xf32> to vector<8192xf32>
    %broadcast_in_dim3A = vector.shape_cast %reduce_sum3A_22 : vector<8192xf32> to vector<8192x1xf32>
    %div3A_23 = arith.constant 1.638400e+04 : f32
    %div3A_24 = vector.broadcast %div3A_23 : f32 to vector<8192x1xf32>
    %div3A_25 = arith.divf %broadcast_in_dim3A, %div3A_24 : vector<8192x1xf32>
    %add3A_26 = arith.constant 9.99999993E-9 : f32
    %add3A_27 = vector.broadcast %add3A_26 : f32 to vector<8192x1xf32>
    %add3A_28 = arith.addf %div3A_25, %add3A_27 : vector<8192x1xf32>
    %log3A = math.log %add3A_28 : vector<8192x1xf32>
    %mul3A_29 = arith.mulf %div3A_25, %log3A : vector<8192x1xf32>
    %reduce_sum3A_30 = vector.shape_cast %mul3A_29 : vector<8192x1xf32> to vector<1x8192x1xf32>
    %reduce_sum3A_31 = arith.constant dense<0.000000e+00> : vector<1xf32>
    %reduce_sum3A_32 = vector.multi_reduction <add>, %reduce_sum3A_30, %reduce_sum3A_31 [1, 2] : vector<1x8192x1xf32> to vector<1xf32>
    %reduce_sum3A_33 = vector.shape_cast %reduce_sum3A_32 : vector<1xf32> to vector<1x1x1xf32>
    %reduce_sum3A_34 = vector.extract %reduce_sum3A_33[0, 0, 0] : f32 from vector<1x1x1xf32>
    %neg3A = arith.constant 0.000000e+00 : f32
    %neg3A_35 = arith.subf %neg3A, %reduce_sum3A_34 : f32
    %exp3A = math.exp %neg3A_35 : f32
    %reshape3A_36 = vector.broadcast %exp3A : f32 to vector<1x1xf32>
    %swap3A_37 = arith.constant 0 : index
    %swap3A_38 = arith.constant 0 : index
    %swap3A_39 = vector.load %arg4[%swap3A_37, %swap3A_38] : memref<1x1xf32, #tpu.memory_space<vmem>>, vector<1x1xf32>
    tpu.vector_store %arg4[%swap3A_37, %swap3A_38], %reshape3A_36 {strides = array<i32>} : memref<1x1xf32, #tpu.memory_space<vmem>>, vector<1x1xf32>,
    return
  }
}

</mosaic_0001>

<sc_bundles>
// kernel: kernel.6.cloned.1.call-start
scs
__scs_entry_jumppad:
0x0: {  	(pc) =	sbr.rel $0x88, $3  }
0x1: {  	(tag) =	ssettag $0x0;
	lr =	simm.s32 $0x1  }
0x2: {  	[smem:$0x3F9D] =	sst lr;
	_ =	strace $0xD0000000  }
0x3: {  	_ = 	snop  }
0x4: {  	_ = 	snop  }
0x5: {  	_ = 	snop  }
0x6: {  	_ = 	snop  }
0x7: {  	_ = 	snop  }
__scs_overlays_trampoline_lowered:
0x8: {  	[smem:$0x3FAC] =	sst s0  }
0x9: {  	[smem:$0x3FAD] =	sst s1  }
0xa: {  	[smem:$0x3FAE] =	sst s2  }
0xb: {  	[smem:$0x3FAF] =	sst s3  }
0xc: {  	[smem:$0x3FB0] =	sst s4  }
0xd: {  	[smem:$0x3FB1] =	sst s5  }
0xe: {  	[smem:$0x3FB2] =	sst s6  }
0xf: {  	[smem:$0x3FB3] =	sst s7  }
0x10: {  	[smem:$0x3FB4] =	sst s8  }
0x11: {  	[smem:$0x3FB5] =	sst s9;
	s0 =	simm.s32 @!p0 $0x0  }
0x12: {  	s1 =	sld [smem:$0x3F9B];
	s0 =	simm.s32 @p0 $0x1  }
0x13: {  	[smem:$0x3FB6] =	sst s0;
	s0 =	simm.s32 @!p1 $0x0  }
0x14: {  	s2 =	sld [smem:$0x3F9A];
	s0 =	simm.s32 @p1 $0x1  }
0x15: {  	[smem:$0x3FB7] =	sst s0;
	s0 =	simm.s32 @!p2 $0x0  }
0x16: {  	s3 =	sld [smem:$0x3FDB];
	s0 =	simm.s32 @p2 $0x1  }
0x17: {  	s4 =	simm.s32 $0x1BF5;
	[smem:$0x3FB9] =	sst s0  }
0x18: {  	s0 =	sld [smem:$0x3F9C];
	_ =	swait.ge [sflag:s4], $0x0  }
0x19: {  	s7 =	sld [smem:$0x3F9D]  }
0x1a: {  	s8 =	sadd.s32 $0xFFFFE003, lr  }
0x1b: {  	s9 =	sadd.s32 $0xFFFFFEF7, lr;
	s5 =	simm.s32 $0xFFFFFFFF;
	p2 =	slt.u32 s8, $0xFFFFF086  }
0x1c: {  	p1 =	slt.u32 s9, $0xF7A;
	s5 =	simm.s32 @!p2 $0x0  }
0x1d: {  	s5 =	simm.s32 @p1 $0x1;
	p0 =	seq.s32 s7, s2  }
0x1e: {  	s7 =	smul.u32 @!p0 $0xF7A, s2;
	p2 =	seq.s32 @!p0 s5, $0x0  }
0x1f: {  	s9 =	smul.u32 $0xF7A, s1;
	s8 =	simm.s32 @!p0 $0x1BF5;
	p2 =	por !p2, p0  }
0x20: {  	[sflag:s8] =	ssyncset.s32 @!p0 $0xFFFFF086;
	s6 =	sadd.s32 @!p0 s3, s7;
	s7 =	simm.s32 @!p0 $0x108  }
0x21: {  	s3 =	sadd.s32 s3, s9;
	s6 =	sadd.s32 @!p0 $0x88, s6;
	s7 =	simm.s32 @p2 $0x1082  }
0x22: {  	[simem:s7], [sflag:s8] =	dma.local @!p0 [hbm:s6], $0xF7A  }
0x23: {  	s9 =	sor.u32 $0xD0000000, s2;
	s6 =	simm.s32 $0x108;
	_ =	swait.ge @!p0 [sflag:s8], $0x0  }
0x24: {  	s3 =	sadd.s32 $0x88, s3;
	s6 =	simm.s32 @!p1 $0x1082;
	[sflag:s4] =	ssyncset.s32 $0xFFFFF086  }
0x25: {  	[simem:s6], [sflag:s4] =	dma.local [hbm:s3], $0xF7A  }
0x26: {  	[smem:$0x3F9D] =	sst s1;
	(tag) =	ssettag s2;
	_ =	strace s9  }
0x27: {  	s1 =	sld [smem:$0x3FAD]  }
0x28: {  	s2 =	sld [smem:$0x3FAE]  }
0x29: {  	s4 =	sld [smem:$0x3FB0]  }
0x2a: {  	p0 =	seq.s32 s5, $0x0;
	s5 =	sld [smem:$0x3FB1]  }
0x2b: {  	s6 =	sld [smem:$0x3FB2]  }
0x2c: {  	s7 =	sld [smem:$0x3FB3]  }
0x2d: {  	s3 =	simm.s32 $0x108;
	s8 =	sld [smem:$0x3FB4]  }
0x2e: {  	s3 =	simm.s32 @!p0 $0x1082;
	s9 =	sld [smem:$0x3FB5]  }
0x2f: {  	lr =	sadd.s32 s0, s3;
	s0 =	sld [smem:$0x3FAC]  }
0x30: {  	s3 =	sld [smem:$0x3FAF]  }
0x31: {  	[smem:$0x3FB8] =	sst s10  }
0x32: {  	s10 =	sld [smem:$0x3FB6];
	_ =	sdelay $0x3  }
0x33: {  	p0 =	seq.s32 s10, $0x1;
	s10 =	sld [smem:$0x3FB8];
	_ =	sdelay $0x3  }
0x34: {  	[smem:$0x3FB8] =	sst s10  }
0x35: {  	s10 =	sld [smem:$0x3FB7];
	_ =	sdelay $0x3  }
0x36: {  	p1 =	seq.s32 s10, $0x1;
	s10 =	sld [smem:$0x3FB8];
	_ =	sdelay $0x3  }
0x37: {  	[smem:$0x3FB8] =	sst s10  }
0x38: {  	s10 =	sld [smem:$0x3FB9]  }
0x39: {  	_ = 	snop;
	(pc) =	sbr.ind lr, $3  }
0x3a: {  	_ = 	snop  }
0x3b: {  	_ = 	snop  }
0x3c: {  	p2 =	seq.s32 s10, $0x1;
	s10 =	sld [smem:$0x3FB8]  }
0x3d: {  	_ =	shalt  }
0x3e: {  	_ =	shalt  }
0x3f: {  	_ =	shalt  }
0x40: {  	_ =	shalt  }
0x41: {  	_ =	shalt  }
0x42: {  	_ =	shalt  }
0x43: {  	_ =	shalt  }
0x44: {  	_ =	shalt  }
0x45: {  	_ =	shalt  }
0x46: {  	_ =	shalt  }
0x47: {  	_ =	shalt  }
0x48: {  	_ =	shalt  }
0x49: {  	_ =	shalt  }
0x4a: {  	_ =	shalt  }
0x4b: {  	_ =	shalt  }
0x4c: {  	_ =	shalt  }
0x4d: {  	_ =	shalt  }
0x4e: {  	_ =	shalt  }
0x4f: {  	_ =	shalt  }
0x50: {  	_ =	shalt  }
0x51: {  	_ =	shalt  }
0x52: {  	_ =	shalt  }
0x53: {  	_ =	shalt  }
0x54: {  	_ =	shalt  }
0x55: {  	_ =	shalt  }
0x56: {  	_ =	shalt  }
0x57: {  	_ =	shalt  }
0x58: {  	_ =	shalt  }
0x59: {  	_ =	shalt  }
0x5a: {  	_ =	shalt  }
0x5b: {  	_ =	shalt  }
0x5c: {  	_ =	shalt  }
0x5d: {  	_ =	shalt  }
0x5e: {  	_ =	shalt  }
0x5f: {  	_ =	shalt  }
0x60: {  	_ =	shalt  }
0x61: {  	_ =	shalt  }
0x62: {  	_ =	shalt  }
0x63: {  	_ =	shalt  }
0x64: {  	_ =	shalt  }
0x65: {  	_ =	shalt  }
0x66: {  	_ =	shalt  }
0x67: {  	_ =	shalt  }
0x68: {  	_ =	shalt  }
0x69: {  	_ =	shalt  }
0x6a: {  	_ =	shalt  }
0x6b: {  	_ =	shalt  }
0x6c: {  	_ =	shalt  }
0x6d: {  	_ =	shalt  }
0x6e: {  	_ =	shalt  }
0x6f: {  	_ =	shalt  }
0x70: {  	_ =	shalt  }
0x71: {  	_ =	shalt  }
0x72: {  	_ =	shalt  }
0x73: {  	_ =	shalt  }
0x74: {  	_ =	shalt  }
0x75: {  	_ =	shalt  }
0x76: {  	_ =	shalt  }
0x77: {  	_ =	shalt  }
0x78: {  	_ =	shalt  }
0x79: {  	_ =	shalt  }
0x7a: {  	_ =	shalt  }
0x7b: {  	_ =	shalt  }
0x7c: {  	_ =	shalt  }
0x7d: {  	_ =	shalt  }
0x7e: {  	_ =	shalt  }
0x7f: {  	_ =	shalt  }
0x80: {  	_ =	shalt  }
0x81: {  	_ =	shalt  }
0x82: {  	_ =	shalt  }
0x83: {  	_ =	shalt  }
0x84: {  	_ =	shalt  }
0x85: {  	_ =	shalt  }
0x86: {  	_ =	shalt  }
0x87: {  	_ =	shalt  }
.Lfunc_end0:
.L_simem_size_0:
called_computation_lowered:
.L_overlay_start_0:
0x88: {  	s2 =	sld [smem:$0x3FD9]  }
0x89: {  	s3 =	sld [smem:$0x3FFE];
	_ =	sdelay $0x1  }
0x8a: {  	s1 =	srdreg.scid  }
0x8b: {  	s0 =	sand.u32 $0x1, s1  }
0x8c: {  	s14 =	sshll.u32 s0, $0xA;
	s2 =	sadd.s32 s3, s2  }
0x8d: {  	s2 =	sadd.s32 s2, s14  }
0x8e: {  	[smem:$0x3FC4] =	sst s2  }
0x8f: {  	_ = 	snop  }
0x90: {  	s2 =	sld [smem:$0x3FD0];
	_ =	sdelay $0x2  }
0x91: {  	s15 =	simm.s32 $0xA;
	s4 =	simm.s32 $0x10  }
0x92: {  	[smem:s4], [sflag:s15] =	dma.local [hbm:s2], $0x1  }
0x93: {  	_ =	swait.eq [sflag:s15], $0x1  }
0x94: {  	[sflag:s15] =	ssyncset.done $0x0  }
0x95: {  	[sflag:s15] =	ssyncadd.s32 $0xFFFFFFFF  }
0x96: {  	s16 =	sld [smem:$0x10];
	(tm) =	ssettm $0x1  }
0x97: {  	s17 =	sld [smem:$0x3FFB];
	_ =	sdelay $0x3  }
0x98: {  	_ =	strace s17  }
0x99: {  	s3 =	sld [smem:$0x3FFC];
	_ =	sdelay $0x3  }
0x9a: {  	_ =	strace s3  }
0x9b: {  	s3 =	sld [smem:$0x3FFD];
	_ =	sdelay $0x3  }
0x9c: {  	_ =	strace s3  }
0x9d: {  	_ =	strace $0x8FFFFFFF  }
0x9e: {  	s18 =	sld [smem:$0x3FDB];
	_ =	sdelay $0x1  }
0x9f: {  	s19 =	simm.s32 $_scs_section_size  }
0xa0: {  	s5 =	simm.s32 $_size__tile_overlayer_lowered;
	s6 =	simm.s32 $_tile_overlayer_lowered  }
0xa1: {  	s22 =	simm.s32 $0x1BFF;
	s21 =	sshll.u32 s6, $0x1;
	s3 =	sadd.s32 s19, s18  }
0xa2: {  	s7 =	simm.s32 $0x0;
	s20 =	sshll.u32 s5, $0x1;
	s5 =	sadd.s32 s21, s3  }
0xa3: {  	[timem:s7], [sflag:s22] =	dma.local [hbm:s5], s20  }
0xa4: {  	_ =	swait.ge [sflag:s22], s20  }
0xa5: {  	s4 =	ssub.s32 $0x0, s20;
	[sflag:s22] =	ssyncset.done $0x0  }
0xa6: {  	[sflag:s22] =	ssyncadd.s32 s4;
	_ =	sdelay $0x1  }
0xa7: {  	s23 =	simm.s32 $0x1B8B  }
0xa8: {  	_ =	swait.ge [sflag:s23], $0x1  }
0xa9: {  	[sflag:s23] =	ssyncset.done $0x0  }
0xaa: {  	s25 =	simm.s32 $0x1B8E;
	s24 =	sld [smem:$0x3FFE];
	[sflag:s23] =	ssyncadd.s32 $0xFFFFFFFF  }
0xab: {  	s26 =	simm.s32 $execute0_lowered;
	[smem:$0x3FD2] =	sst s25  }
0xac: {  	s5 =	sshll.u32 s26, $0x1;
	_ =	strace $0x80000046;
	[dreg:$0x1] =	wrdreg $0xFFFFFFFF  }
0xad: {  	s28 =	simm.s32 $_size_execute0_lowered;
	s3 =	sadd.s32 s3, s5;
	[dreg:$0x0] =	wrdreg $0x0  }
0xae: {  	s5 =	sshll.u32 s28, $0x1;
	[dreg:$0x2] =	wrdreg s3  }
0xaf: {  	[dreg:$0x3] =	wrdreg s5  }
0xb0: {  	[dreg:$0x4] =	wrdreg $0xC0  }
0xb1: {  	_ =	task [dreg:s7], $0x5FFFF  }
0xb2: {  	[dreg:$0x1] =	wrdreg $0xFFFFFFFF  }
0xb3: {  	[dreg:$0x0] =	wrdreg $0x60  }
0xb4: {  	[dreg:$0x2] =	wrdreg s24  }
0xb5: {  	[dreg:$0x3] =	wrdreg s16  }
0xb6: {  	[dreg:$0x4] =	wrdreg $0xAA000  }
0xb7: {  	[dreg:$0x5] =	wrdreg $0x9  }
0xb8: {  	_ =	task.clear_ibuf [dreg:s7], $0x6FFFF;
	_ =	strace $0x90000046  }
0xb9: {  	s29 =	simm.s32 $0x9;
	_ =	strace $0x80000048  }
0xba: {  	_ =	swait.ge [sflag:s29], $0x1  }
0xbb: {  	[sflag:s29] =	ssyncadd.s32 $0xFFFFFFFF  }
0xbc: {  	_ =	strace $0x90000048  }
0xbd: {  	_ =	sfence  }
0xbe: {  	s30 =	sld [smem:$0x0];
	_ =	sdelay $0x2  }
0xbf: {  	s31 =	sshll.u32 s1, $0xD;
	s1 =	sshrl.u32 s1, $0x2  }
0xc0: {  	s3 =	sand.u32 $0x4000, s31;
	s1 =	sadd.s32 s1, s30  }
0xc1: {  	s0 =	sor.u32 s3, s0;
	s1 =	sshll.u32 s1, $0x11  }
0xc2: {  	s0 =	sor.u32 s1, s0  }
0xc3: {  	s0 =	sadd.s32 $0x8F2B, s0  }
0xc4: {  	[sflag:s0] =	ssyncadd.remote.s32 $0x1  }
0xc5: {  	_ =	sfence.sel $0xFFFF  }
0xc6: {  	[dreg:$0x0] =	wrdreg $0xFFFFFFFF;
	(pc) =	sbr.abs _section_cstart, $3  }
0xc7: {  	[dreg:$0x1] =	wrdreg $0xFFFFFFFF  }
0xc8: {  	_ =	task.clear_ibuf [dreg:s7], $0x2FFFF;
	_ =	strace $0x9FFFFFFF  }
0xc9: {  	(tm) =	ssettm $0x7FFFFFFF  }
tec
execute0_lowered:
.L_overlay_start_1:
0x0: {  	(tag) =	ssettag $0x1  }
0x1: {  	s4 =	rddreg [dreg:$0x0]  }
0x2: {  	s7 =	rddreg [dreg:$0x1]  }
0x3: {  	s1 =	rddreg [dreg:$0x2]  }
0x4: {  	s0 =	rddreg [dreg:$0x3];
	s2 =	simm.s32 $0x0  }
0x5: {  	s3 =	srdreg.scid;
	s17 =	stileid.u32;
	s12 =	simm.s32 $0x2200  }
0x6: {  	s13 =	simm.s32 $0x100;
	s14 =	simm.s32 $0x4200;
	s15 =	simm.s32 $0x180  }
0x7: {  	s16 =	simm.s32 $0x6200;
	s18 =	simm.s32 $0x8200;
	s20 =	simm.s32 $0x1  }
0x8: {  	s21 =	simm.s32 $0x0;
	[smem:$0x7FF] =	sst s2;
	s5 =	sand.u32 $0x1, s3  }
0x9: {  	s6 =	sshll.u32 s17, $0x1;
	s3 =	sadd.s32 $0x1200, s4;
	s30 =	sshll.u32 s17, $0xD  }
0xa: {  	p0 =	sne.s32 s17, $0x0;
	s17 =	simm.s32 $0x8A00;
	_ =	strace $0x80000047  }
0xb: {  	s6 =	sor.u32 s5, s6;
	s8 =	ssub.s32 $0x2, s5;
	s5 =	sshll.u32 s5, $0xE  }
0xc: {  	s19 =	sshrl.u32 @!p0 s1, $0x3;
	s9 =	sshll.u32 s6, $0x6;
	s10 =	sshrl.u32 s8, $0x1  }
0xd: {  	s11 =	sadd.s32 s5, s4;
	s31 =	sshll.u32 s6, $0xC;
	s5 =	sadd.s32 s30, s1  }
0xe: {  	s9 =	sadd.s32 s9, s4;
	s8 =	ssub.s32 s8, s10;
	s6 =	sadd.s32 $0x11A00, s11  }
0xf: {  	v0 =	vimm.f32 $0.0e+00;
	vm0 =	vcmask $0x300;
	s7 =	sadd.s32 s7, s31;
	s10 =	simm.s32 $0x80;
	s11 =	simm.s32 $0x200  }
0x10: {  	v1 =	vsel vm0, $0x3F800000, v0;
	s4 =	sadd.s32 $0x11200, s9;
	s8 =	smax.u32 s8, $0x1;
	s9 =	simm.s32 $0x2  }
.LBB2_1:
0x11: {  	[tilespmem:s2], [sflag:$0x2] =	stream.linear.gather [hbm4b:s4+s2], $0x200, $0x38;
	[tilespmem:$0xCA00] =	vst v63  }
0x12: {  	_ =	swait.ge [sflag:s9], $0x200  }
0x13: {  	[sflag:s9] =	ssyncset.done $0x0  }
0x14: {  	[sflag:s9] =	ssyncadd.s32 $0xFFFFFE00  }
0x15: {  	[tilespmem:s11], [sflag:$0x1] =	stream.indirect.gather [hbm4b:s3+s10], $0x40, s2, s10, $0xb8;
	[tilespmem:$0xCA00] =	vst v63  }
0x16: {  	_ = 	snop  }
0x17: {  	[tilespmem:s12], [sflag:$0x1] =	stream.indirect.gather [hbm4b:s3+s10], $0x40, s10, s10, $0xb8;
	[tilespmem:$0xCA00] =	vst v63  }
0x18: {  	_ = 	snop  }
0x19: {  	[tilespmem:s14], [sflag:$0x1] =	stream.indirect.gather [hbm4b:s3+s10], $0x40, s13, s10, $0xb8;
	[tilespmem:$0xCA00] =	vst v63  }
0x1a: {  	s22 =	simm.s32 $0x0  }
0x1b: {  	[tilespmem:s16], [sflag:$0x1] =	stream.indirect.gather [hbm4b:s3+s10], $0x40, s15, s10, $0xb8;
	[tilespmem:$0xCA00] =	vst v63  }
.LBB2_2:
0x1c: {  	p1 =	sne.s32 s22, $0x1FC0  }
.Ltmp0:
0x1d: {  	_ = 	snop;
	(pc) =	sbr.rel @p1 .LBB2_2-.Ltmp0, $3  }
0x1e: {  	_ =	sdelay $0x1  }
0x1f: {  	s23 =	sshra.s32 s22, $0x2  }
0x20: {  	s22 =	sadd.s32 $0x40, s22;
	[tilespmem:s23+$0x8200] =	vst v1  }
0x21: {  	s22 =	simm.s32 $0x40;
	s23 =	simm.s32 $0x0  }
.LBB2_4:
0x22: {  	p1 =	sne.s32 s22, $0x7FC0;
	[tilespmem:s23+$0x8A00] =	vst v0;
	s23 =	smov.u32 s22;
	s22 =	sadd.s32 $0x40, s22  }
.Ltmp1:
0x23: {  	(pc) =	sbr.rel @p1 .LBB2_4-.Ltmp1, $2  }
0x24: {  	_ =	sdelay $0x2  }
0x25: {  	s23 =	sshra.s32 s23, $0x2  }
0x26: {  	[tilespmem:s23+$0x8A00] =	vst v0  }
0x27: {  	[spmem:s5] =	stream.linear.scatter [tilespmem:s17], [sflag:$0x2], $0x2000, $0x38;
	[tilespmem:$0xCA00] =	vst v63  }
0x28: {  	_ =	swait.ge [sflag:s9], $0x2000  }
0x29: {  	[sflag:s9] =	ssyncset.done $0x0  }
0x2a: {  	[sflag:s9] =	ssyncadd.s32 $0xFFFFE000  }
0x2b: {  	[bflag:$0x0] =	sbarrier.arrive $0xFFFF  }
0x2c: {  	[spmem:s1] =	stream.indirect.scatter.add.f32 [tilespmem:s18], [sflag:$0x2], $0x10, s2, s10, $0xb8;
	[tilespmem:$0xCA00] =	vst v63  }
0x2d: {  	_ =	swait.ge [sflag:s9], $0x800  }
0x2e: {  	[sflag:s9] =	ssyncset.done $0x0  }
0x2f: {  	[sflag:s9] =	ssyncadd.s32 $0xFFFFF800  }
0x30: {  	[spmem:s1] =	stream.indirect.scatter.add.f32 [tilespmem:s18], [sflag:$0x2], $0x10, s10, s10, $0xb8;
	[tilespmem:$0xCA00] =	vst v63  }
0x31: {  	_ =	swait.ge [sflag:s9], $0x800  }
0x32: {  	[sflag:s9] =	ssyncset.done $0x0  }
0x33: {  	[sflag:s9] =	ssyncadd.s32 $0xFFFFF800  }
0x34: {  	[spmem:s1] =	stream.indirect.scatter.add.f32 [tilespmem:s18], [sflag:$0x2], $0x10, s13, s10, $0xb8;
	[tilespmem:$0xCA00] =	vst v63  }
0x35: {  	_ =	swait.ge [sflag:s9], $0x800  }
0x36: {  	[sflag:s9] =	ssyncset.done $0x0  }
0x37: {  	[sflag:s9] =	ssyncadd.s32 $0xFFFFF800  }
0x38: {  	[spmem:s1] =	stream.indirect.scatter.add.f32 [tilespmem:s18], [sflag:$0x2], $0x10, s15, s10, $0xb8;
	[tilespmem:$0xCA00] =	vst v63  }
0x39: {  	_ =	swait.ge [sflag:s9], $0x800  }
0x3a: {  	[sflag:s9] =	ssyncset.done $0x0  }
0x3b: {  	[sflag:s9] =	ssyncadd.s32 $0xFFFFF800  }
0x3c: {  	s22 =	simm.s32 @!p0 $0x1C02;
	[bflag:$0x0] =	sbarrier.arrive $0xFFFF  }
0x3d: {  	[hbm:s6], [sflag:s22] =	dma.local @!p0 [spmem:s19], $0x4000  }
0x3e: {  	s22 =	simm.s32 @!p0 $0x2  }
0x3f: {  	_ =	swait.ge @!p0 [sflag:s22], $0x4000  }
0x40: {  	[sflag:s22] =	ssyncset.done @!p0 $0x0  }
0x41: {  	[sflag:s22] =	ssyncadd.s32 @!p0 $0xFFFFC000  }
0x42: {  	_ =	swait.ge [sflag:s20], $0x2000  }
0x43: {  	[sflag:s20] =	ssyncset.done $0x0  }
0x44: {  	[sflag:s20] =	ssyncadd.s32 $0xFFFFE000  }
0x45: {  	_ =	swait.ge [sflag:s20], $0x2000  }
0x46: {  	[sflag:s20] =	ssyncset.done $0x0  }
0x47: {  	[sflag:s20] =	ssyncadd.s32 $0xFFFFE000  }
0x48: {  	_ =	swait.ge [sflag:s20], $0x2000  }
0x49: {  	[sflag:s20] =	ssyncset.done $0x0  }
0x4a: {  	[sflag:s20] =	ssyncadd.s32 $0xFFFFE000  }
0x4b: {  	s21 =	sadd.s32 $0x1, s21;
	_ =	swait.ge [sflag:s20], $0x2000  }
0x4c: {  	p1 =	sne.s32 s21, s8;
	[sflag:s20] =	ssyncset.done $0x0  }
.Ltmp2:
0x4d: {  	[sflag:s20] =	ssyncadd.s32 $0xFFFFE000;
	(pc) =	sbr.rel @p1 .LBB2_1-.Ltmp2, $4  }
0x4e: {  	[hbm4b:s7+s2] =	stream.linear.scatter [tilespmem:s11], [sflag:$0x2], $0x8000, $0x38;
	[tilespmem:$0xCA00] =	vst v63  }
0x4f: {  	_ =	swait.ge [sflag:s9], $0x8000  }
0x50: {  	[sflag:s9] =	ssyncset.done $0x0  }
0x51: {  	[sflag:s9] =	ssyncadd.s32 $0xFFFF8000  }
0x52: {  	_ =	sfence.sel $0x180000  }
0x53: {  	[bflag:$0x0] =	sbarrier.arrive $0xFFFF  }
0x54: {  	_ =	strace $0x90000047  }
0x55: {  	s0 =	sadd.s32 @!p0 $0x100000, s0;
	[bflag:$0x2] =	sbarrier.arrive $0xFFFF  }
0x56: {  	[sflag:s0] =	ssyncadd.tile.s32 @!p0 $0x1;
	_ =	shalt  }
.Lfunc_end2:
_tile_overlayer_lowered:
.L_overlay_start_2:
0x57: {  	(tag) =	ssettag $0x2  }
0x58: {  	s0 =	rddreg [dreg:$0x0];
	s2 =	stileid.u32  }
0x59: {  	s1 =	rddreg [dreg:$0x1];
	p0 =	sne.s32 s2, $0x0  }
0x5a: {  	s3 =	rddreg [dreg:$0x2];
	[bflag:$0x3] =	sbarrier.arrive $0xFFFF;
	s2 =	simm.s32 @!p0 $0x1C02  }
0x5b: {  	[timem:s3], [sflag:s2] =	dma.local @!p0 [hbm:s0], s1  }
0x5c: {  	s0 =	simm.s32 @!p0 $0x2  }
0x5d: {  	_ =	swait.ge @!p0 [sflag:s0], s1  }
0x5e: {  	s1 =	ssub.s32 @!p0 $0x0, s1;
	[sflag:s0] =	ssyncset.done @!p0 $0x0  }
0x5f: {  	[sflag:s0] =	ssyncadd.s32 @!p0 s1  }
0x60: {  	[bflag:$0x3] =	sbarrier.arrive $0xFFFF  }
0x61: {  	_ =	shalt  }

</sc_bundles>
